<compile_context>
chip_gen: v7x
topology: tpu7x:2x2x1
jax: 0.10.2.dev20260603
libtpu: 0.0.44.dev20260713+nightly
codegen_flags: <defaults>
</compile_context>

<pallas_src>
import functools

import jax
import jax.numpy as jnp
from jax import lax
from jax.experimental import pallas as pl
from jax.experimental.pallas import tpu as pltpu
from jax.experimental.pallas import tpu_sc as plsc

E = 16
D = 2048
DE = 128
B = 4
P = 2048
S = D // E
H = S // 4
PBLK = 256
LOG2S = 7

NC = 2
NS = 16
NW = NC * NS
RPW = (B * P) // NW
TPW = P // NW


def _sc_gather_body(table_hbm, fp_hbm, xs_hbm, fp_v, idx_v, rows_v, sem):
    wid = lax.axis_index("s") * NC + lax.axis_index("c")
    r0 = wid * RPW
    p0 = lax.rem(wid, 8) * RPW
    pltpu.sync_copy(fp_hbm.at[pl.ds(p0, RPW)], fp_v)
    for j in range(RPW // 16):
        fpv = fp_v[pl.ds(j * 16, 16)]
        ai = (fpv * float(E)).astype(jnp.int32)
        ai = jnp.minimum(jnp.maximum(ai, 0), E - 1)
        rr = r0 + j * 16 + lax.iota(jnp.int32, 16)
        idx_v[j // 8, pl.ds((j % 8) * 16, 16)] = rr * E + ai
    copies = []
    for h in range(RPW // 128):
        copies.append(pltpu.async_copy(
            table_hbm.at[idx_v.at[h]], rows_v.at[pl.ds(h * 128, 128)], sem))
    for cp in copies:
        cp.wait()
    pltpu.sync_copy(rows_v, xs_hbm.at[pl.ds(r0, RPW)])


def _sc_gather(table, fp):
    run = pl.kernel(
        _sc_gather_body,
        out_type=jax.ShapeDtypeStruct((B * P, S), jnp.float32),
        mesh=plsc.VectorSubcoreMesh(core_axis_name="c", subcore_axis_name="s"),
        scratch_types=[
            pltpu.VMEM((RPW,), jnp.float32),
            pltpu.VMEM((RPW // 128, 128), jnp.int32),
            pltpu.VMEM((RPW, S), jnp.float32),
            pltpu.SemaphoreType.DMA,
        ],
    )
    return run(table, fp)


def _stage1_body(xs_ref, fp_ref, gW1c_ref, gb1_ref, gW2m_ref, gb2_ref,
                 alpha_ref, wq_ref, wk_ref, wv_ref, penta_ref,
                 qa_ref, ka_ref, v_ref):
    xs = xs_ref[0]
    fp = fp_ref[...]
    a = jnp.clip(jnp.floor(fp * E).astype(jnp.int32), 0, E - 1)
    eidx = lax.broadcasted_iota(jnp.int32, (PBLK, E), 1)
    onehot = (eidx == a).astype(jnp.float32)
    u0 = jnp.concatenate([xs * onehot[:, e:e + 1] for e in range(E)], axis=1)
    h = jax.nn.gelu(jnp.dot(u0, gW1c_ref[...]) + jnp.dot(onehot, gb1_ref[...]))
    gpre = (jnp.sum(h * jnp.dot(onehot, gW2m_ref[...]), axis=-1, keepdims=True)
            + jnp.dot(onehot, gb2_ref[...]))
    g = jax.nn.sigmoid(gpre)
    aw = jnp.dot(onehot, jax.nn.sigmoid(alpha_ref[...]))
    u = u0 * (g * aw + (1.0 - aw))
    q = jnp.dot(u, wq_ref[...])
    k = jnp.dot(u, wk_ref[...])
    v = jnp.dot(u, wv_ref[...])
    v_ref[0] = v
    kas, qas = [], []
    for vtx in range(5):
        pv = penta_ref[vtx]
        nrm = jnp.sqrt(jnp.sum(pv * pv, axis=-1, keepdims=True))
        dv = pv / (nrm + 1e-8)
        dsel = jnp.dot(onehot, dv)
        kas.append(jnp.sum(k * dsel, axis=-1, keepdims=True))
        qas.append(jnp.sum(q * dsel, axis=-1, keepdims=True))
    ka_ref[0] = jnp.concatenate(kas, axis=1)
    qa_ref[0] = jnp.concatenate(qas, axis=1)


def _stage2_body(ka_ref, qa_ref, v_ref, fw_ref, temp_ref, out_ref):
    ka = ka_ref[0] / temp_ref[0, 0]
    mx = jnp.max(ka, axis=0, keepdims=True)
    ex = jnp.exp(ka - mx)
    w = ex / jnp.sum(ex, axis=0, keepdims=True)
    ctx = lax.dot_general(w, v_ref[0], (((0,), (0,)), ((), ())))
    qf = qa_ref[0] * fw_ref[...]
    out_ref[0] = jnp.dot(qf, ctx)


@jax.jit
def kernel(tokens, fingerprints, Wq, Wk, Wv, alpha, gW1, gb1, gW2, gb2,
           penta, fusion_w, temperature):
    gW1c = gW1.reshape(E * S, H)
    wqc = Wq.reshape(E * S, DE)
    wkc = Wk.reshape(E * S, DE)
    wvc = Wv.reshape(E * S, DE)
    gW2m = gW2[:, :, 0]
    alpha2 = alpha.reshape(E, 1)
    penta_vm = penta.transpose(1, 0, 2)
    fp2 = fingerprints.reshape(P, 1)
    fw2 = fusion_w.reshape(1, 5)
    temp2 = temperature.reshape(1, 1)

    table = tokens.reshape(B * P * E, S)
    xs = _sc_gather(table, fingerprints)
    xs3 = xs.reshape(B, P, S)

    nblk = P // PBLK
    full = lambda i, j: (0, 0)
    qa, ka, v = pl.pallas_call(
        _stage1_body,
        grid=(B, nblk),
        in_specs=[
            pl.BlockSpec((1, PBLK, S), lambda b, pb: (b, pb, 0)),
            pl.BlockSpec((PBLK, 1), lambda b, pb: (pb, 0)),
            pl.BlockSpec((E * S, H), full),
            pl.BlockSpec((E, H), full),
            pl.BlockSpec((E, H), full),
            pl.BlockSpec((E, 1), full),
            pl.BlockSpec((E, 1), full),
            pl.BlockSpec((E * S, DE), full),
            pl.BlockSpec((E * S, DE), full),
            pl.BlockSpec((E * S, DE), full),
            pl.BlockSpec((5, E, DE), lambda b, pb: (0, 0, 0)),
        ],
        out_specs=[
            pl.BlockSpec((1, PBLK, 5), lambda b, pb: (b, pb, 0)),
            pl.BlockSpec((1, PBLK, 5), lambda b, pb: (b, pb, 0)),
            pl.BlockSpec((1, PBLK, DE), lambda b, pb: (b, pb, 0)),
        ],
        out_shape=[
            jax.ShapeDtypeStruct((B, P, 5), jnp.float32),
            jax.ShapeDtypeStruct((B, P, 5), jnp.float32),
            jax.ShapeDtypeStruct((B, P, DE), jnp.float32),
        ],
        compiler_params=pltpu.CompilerParams(
            dimension_semantics=("parallel", "parallel")),
    )(xs3, fp2, gW1c, gb1, gW2m, gb2, alpha2, wqc, wkc, wvc, penta_vm)

    out = pl.pallas_call(
        _stage2_body,
        grid=(B,),
        in_specs=[
            pl.BlockSpec((1, P, 5), lambda b: (b, 0, 0)),
            pl.BlockSpec((1, P, 5), lambda b: (b, 0, 0)),
            pl.BlockSpec((1, P, DE), lambda b: (b, 0, 0)),
            pl.BlockSpec((1, 5), lambda b: (0, 0)),
            pl.BlockSpec((1, 1), lambda b: (0, 0)),
        ],
        out_specs=pl.BlockSpec((1, P, DE), lambda b: (b, 0, 0)),
        out_shape=jax.ShapeDtypeStruct((B, P, DE), jnp.float32),
        compiler_params=pltpu.CompilerParams(
            dimension_semantics=("parallel",)),
    )(ka, qa, v, fw2, temp2)
    return out

# --- scband reference (transcript-rebuilt; emitter-appended) ---
"""Pipeline reference for scband-vi-tbeans-57174604644752 (READ-ONLY COPY).

The authoritative reference and input builder live on the scoring server;
editing this copy changes nothing except your own understanding.
"""

import jax, jax.numpy as jnp
import numpy as np

E = 16          # num_experts
D = 2048        # full_feature_dim
DE = 128        # expert_dim
B = 4
P = 2048        # num patches/tokens
S = D // E      # slice_size = 128
H = S // 4      # gate hidden = 32


def setup_inputs(seed: int = 0) -> dict:
    key = jax.random.key(seed)
    ks = jax.random.split(key, 12)
    tokens = jax.random.normal(ks[0], (B, P, D), dtype=jnp.float32)
    fingerprints = jax.random.uniform(ks[1], (P,), dtype=jnp.float32)
    # per-expert sparse QKV projections (xavier-ish scale)
    scale = 1.0 / np.sqrt(S)
    Wq = jax.random.normal(ks[2], (E, S, DE), dtype=jnp.float32) * scale
    Wk = jax.random.normal(ks[3], (E, S, DE), dtype=jnp.float32) * scale
    Wv = jax.random.normal(ks[4], (E, S, DE), dtype=jnp.float32) * scale
    # per-expert alpha scalar (alpha_init=1.0)
    alpha = jnp.ones((E,), dtype=jnp.float32)
    # per-expert alpha gate MLP: Linear(S, S//4) -> GELU -> Linear(S//4, 1) -> Sigmoid
    gW1 = jax.random.normal(ks[5], (E, S, H), dtype=jnp.float32) * 0.02
    gb1 = jnp.zeros((E, H), dtype=jnp.float32)
    gW2 = jax.random.normal(ks[6], (E, H, 1), dtype=jnp.float32) * 0.02
    gb2 = jnp.zeros((E, 1), dtype=jnp.float32)
    # per-expert pentachoron (5 vertices), normalized at init
    penta = jax.random.normal(ks[7], (E, 5, DE), dtype=jnp.float32) * 0.02
    penta = penta / (jnp.linalg.norm(penta, axis=-1, keepdims=True) + 1e-8)
    fusion_w = jnp.ones((5,), dtype=jnp.float32) / 5.0
    temperature = jnp.asarray(0.5, dtype=jnp.float32)
    return {
        'tokens': tokens, 'fingerprints': fingerprints,
        'Wq': Wq, 'Wk': Wk, 'Wv': Wv, 'alpha': alpha,
        'gW1': gW1, 'gb1': gb1, 'gW2': gW2, 'gb2': gb2,
        'penta': penta, 'fusion_w': fusion_w, 'temperature': temperature,
    }


def reference(tokens, fingerprints, Wq, Wk, Wv, alpha, gW1, gb1, gW2, gb2, penta, fusion_w, temperature):
    # Route each patch to exactly one expert by Cantor fingerprint bin
    # expert e owns fingerprints in [e/E, (e+1)/E) (last expert inclusive of 1.0)
    a = jnp.clip(jnp.floor(fingerprints * E).astype(jnp.int32), 0, E - 1)  # [P]
    # Each expert reads its own feature slice: [a*S : a*S + S]
    idx = a[:, None] * S + jnp.arange(S, dtype=jnp.int32)[None, :]          # [P, S]
    idx_b = jnp.broadcast_to(idx[None, :, :], (tokens.shape[0], P, S))
    xs = jnp.take_along_axis(tokens, idx_b, axis=2)                          # [B, P, S]
    # alpha gate MLP with per-expert weights gathered per token
    h = jax.nn.gelu(jnp.einsum('bps,psh->bph', xs, gW1[a]) + gb1[a][None])   # [B, P, H]
    g = jax.nn.sigmoid(jnp.einsum('bph,pho->bpo', h, gW2[a]) + gb2[a][None]) # [B, P, 1]
    aw = jax.nn.sigmoid(alpha)[a]                                            # [P]
    feat = xs * (g * aw[None, :, None] + (1.0 - aw[None, :, None]))
    # sparse QKV (per-expert projections gathered per token)
    Q = jnp.einsum('bps,psd->bpd', feat, Wq[a])                              # [B, P, DE]
    K = jnp.einsum('bps,psd->bpd', feat, Wk[a])
    V = jnp.einsum('bps,psd->bpd', feat, Wv[a])
    # pentachoron direction affinities (directions normalized in forward)
    dirs = penta / (jnp.linalg.norm(penta, axis=-1, keepdims=True) + 1e-8)   # [E, 5, DE]
    dirs_t = dirs[a]                                                         # [P, 5, DE]
    Ka = jnp.einsum('bpd,pvd->bpv', K, dirs_t)                               # [B, P, 5]
    Qa = jnp.einsum('bpd,pvd->bpv', Q, dirs_t)                               # [B, P, 5]
    # global O(n) fusion: per-direction softmax over all patches -> context, then
    # broadcast back weighted by query affinity and learned direction fusion weights
    w = jax.nn.softmax(Ka / temperature, axis=1)                             # [B, P, 5]
    ctx = jnp.einsum('bpv,bpd->bvd', w, V)                                   # [B, 5, DE]
    out = jnp.einsum('bpv,v,bvd->bpd', Qa, fusion_w, ctx)                    # [B, P, DE]
    return out

if __name__ == "__main__":
    import jax
    _d = setup_inputs()
    print(jax.jit(kernel)(*tuple(_d.values())))

</pallas_src>

<mosaic_0001>
#map = affine_map<(d0, d1) -> (0, 0)>
#map1 = affine_map<(d0, d1) -> (0)>
module attributes {stable_mosaic.version = 14 : i64} {
  func.func @_sc_gather_body(%arg0: i32, %arg1: i32, %arg2: memref<131072x128xf32, #tpu.memory_space<hbm>>, %arg3: memref<2048xf32, #tpu.memory_space<hbm>>, %arg4: memref<8192x128xf32, #tpu.memory_space<hbm>>, %arg5: memref<256xf32, #tpu.memory_space<vmem>>, %arg6: memref<2x128xi32, #tpu.memory_space<vmem>>, %arg7: memref<256x128xf32, #tpu.memory_space<vmem>>, %arg8: memref<!tpu.dma_semaphore, #tpu.memory_space<semaphore_mem>>) attributes {dimension_semantics = [#tpu.dimension_semantics<core_parallel>, #tpu.dimension_semantics<subcore_parallel>], iteration_bounds = array<i64: 2, 16>, scalar_prefetch = 0 : i64, scratch_operands = 4 : i64, tpu.core_type = #tpu.core_type<sc_vector_subcore>, window_params = [{transform_indices = #map}, {transform_indices = #map1}, {transform_indices = #map}]} {
    %mul3A = arith.constant 2 : i32
    %mul3A_0 = arith.muli %arg1, %mul3A : i32
    %add3A = arith.addi %mul3A_0, %arg0 : i32
    %mul3A_1 = arith.constant 256 : i32
    %mul3A_2 = arith.muli %add3A, %mul3A_1 : i32
    %rem3A = arith.constant 8 : i32
    %rem3A_3 = arith.remsi %add3A, %rem3A : i32
    %mul3A_4 = arith.constant 256 : i32
    %mul3A_5 = arith.muli %rem3A_3, %mul3A_4 : i32
    "tpu.region"() ({
      %run_scoped3A = tpu.sem_alloc : memref<!tpu.dma_semaphore, #tpu.memory_space<semaphore_mem>>
      %dma_start3A_486 = tpu.memref_slice %arg3[%mul3A_5] : memref<2048xf32, #tpu.memory_space<hbm>> -> memref<256xf32, #tpu.memory_space<hbm>>
      %dma_start3A_487 = tpu.memref_slice %arg3[%mul3A_5] : memref<2048xf32, #tpu.memory_space<hbm>> -> memref<256xf32, #tpu.memory_space<hbm>>
      tpu.enqueue_dma source(%dma_start3A_487 : memref<256xf32, #tpu.memory_space<hbm>>) target(%arg5 : memref<256xf32, #tpu.memory_space<vmem>>) target_semaphore(%run_scoped3A : memref<!tpu.dma_semaphore, #tpu.memory_space<semaphore_mem>>)
      %dma_wait3A_488 = tpu.memref_slice %arg3[%mul3A_5] : memref<2048xf32, #tpu.memory_space<hbm>> -> memref<256xf32, #tpu.memory_space<hbm>>
      %dma_wait3A_489 = tpu.memref_slice %arg3[%mul3A_5] : memref<2048xf32, #tpu.memory_space<hbm>> -> memref<256xf32, #tpu.memory_space<hbm>>
      tpu.wait_dma2 semaphore(%run_scoped3A : memref<!tpu.dma_semaphore, #tpu.memory_space<semaphore_mem>>) src(%dma_wait3A_489 : memref<256xf32, #tpu.memory_space<hbm>>) dst(%arg5 : memref<256xf32, #tpu.memory_space<vmem>>)
      tpu.yield
    }) : () -> ()
    %get3A = arith.constant 0 : index
    %get3A_6 = tpu.vector_load %arg5[%get3A] {strides = array<i32>} : memref<256xf32, #tpu.memory_space<vmem>>, vector<16xf32>,
    %get3A_7 = vector.shape_cast %get3A_6 : vector<16xf32> to vector<16xf32>
    %mul3A_8 = arith.constant 1.600000e+01 : f32
    %mul3A_9 = vector.broadcast %mul3A_8 : f32 to vector<16xf32>
    %mul3A_10 = arith.mulf %get3A_7, %mul3A_9 : vector<16xf32>
    %convert_element_type3A = arith.fptosi %mul3A_10 : vector<16xf32> to vector<16xi32>
    %max3A = arith.constant 0 : i32
    %max3A_11 = vector.broadcast %max3A : i32 to vector<16xi32>
    %max3A_12 = arith.maxsi %convert_element_type3A, %max3A_11 : vector<16xi32>
    %min3A = arith.constant 15 : i32
    %min3A_13 = vector.broadcast %min3A : i32 to vector<16xi32>
    %min3A_14 = arith.minsi %max3A_12, %min3A_13 : vector<16xi32>
    %add3A_15 = arith.constant 0 : i32
    %add3A_16 = arith.addi %mul3A_2, %add3A_15 : i32
    %iota3A = tpu.iota {dimensions = array<i32: 0>} : vector<16xi32>
    %add3A_17 = vector.broadcast %add3A_16 : i32 to vector<16xi32>
    %add3A_18 = arith.addi %add3A_17, %iota3A : vector<16xi32>
    %mul3A_19 = arith.constant 16 : i32
    %mul3A_20 = vector.broadcast %mul3A_19 : i32 to vector<16xi32>
    %mul3A_21 = arith.muli %add3A_18, %mul3A_20 : vector<16xi32>
    %add3A_22 = arith.addi %mul3A_21, %min3A_14 : vector<16xi32>
    %swap3A = arith.constant 0 : i32
    %swap3A_23 = arith.index_cast %swap3A : i32 to index
    %swap3A_24 = arith.constant 0 : index
    %swap3A_25 = tpu.vector_load %arg6[%swap3A_23, %swap3A_24] {strides = array<i32>} : memref<2x128xi32, #tpu.memory_space<vmem>>, vector<1x16xi32>,
    %swap3A_26 = vector.shape_cast %swap3A_25 : vector<1x16xi32> to vector<16xi32>
    %swap3A_27 = vector.shape_cast %add3A_22 : vector<16xi32> to vector<1x16xi32>
    tpu.vector_store %arg6[%swap3A_23, %swap3A_24], %swap3A_27 {strides = array<i32>} : memref<2x128xi32, #tpu.memory_space<vmem>>, vector<1x16xi32>,
    %get3A_28 = arith.constant 16 : index
    %get3A_29 = tpu.vector_load %arg5[%get3A_28] {strides = array<i32>} : memref<256xf32, #tpu.memory_space<vmem>>, vector<16xf32>,
    %get3A_30 = vector.shape_cast %get3A_29 : vector<16xf32> to vector<16xf32>
    %mul3A_31 = arith.constant 1.600000e+01 : f32
    %mul3A_32 = vector.broadcast %mul3A_31 : f32 to vector<16xf32>
    %mul3A_33 = arith.mulf %get3A_30, %mul3A_32 : vector<16xf32>
    %convert_element_type3A_34 = arith.fptosi %mul3A_33 : vector<16xf32> to vector<16xi32>
    %max3A_35 = arith.constant 0 : i32
    %max3A_36 = vector.broadcast %max3A_35 : i32 to vector<16xi32>
    %max3A_37 = arith.maxsi %convert_element_type3A_34, %max3A_36 : vector<16xi32>
    %min3A_38 = arith.constant 15 : i32
    %min3A_39 = vector.broadcast %min3A_38 : i32 to vector<16xi32>
    %min3A_40 = arith.minsi %max3A_37, %min3A_39 : vector<16xi32>
    %add3A_41 = arith.constant 16 : i32
    %add3A_42 = arith.addi %mul3A_2, %add3A_41 : i32
    %iota3A_43 = tpu.iota {dimensions = array<i32: 0>} : vector<16xi32>
    %add3A_44 = vector.broadcast %add3A_42 : i32 to vector<16xi32>
    %add3A_45 = arith.addi %add3A_44, %iota3A_43 : vector<16xi32>
    %mul3A_46 = arith.constant 16 : i32
    %mul3A_47 = vector.broadcast %mul3A_46 : i32 to vector<16xi32>
    %mul3A_48 = arith.muli %add3A_45, %mul3A_47 : vector<16xi32>
    %add3A_49 = arith.addi %mul3A_48, %min3A_40 : vector<16xi32>
    %swap3A_50 = arith.constant 0 : i32
    %swap3A_51 = arith.index_cast %swap3A_50 : i32 to index
    %swap3A_52 = arith.constant 16 : index
    %swap3A_53 = tpu.vector_load %arg6[%swap3A_51, %swap3A_52] {strides = array<i32>} : memref<2x128xi32, #tpu.memory_space<vmem>>, vector<1x16xi32>,
    %swap3A_54 = vector.shape_cast %swap3A_53 : vector<1x16xi32> to vector<16xi32>
    %swap3A_55 = vector.shape_cast %add3A_49 : vector<16xi32> to vector<1x16xi32>
    tpu.vector_store %arg6[%swap3A_51, %swap3A_52], %swap3A_55 {strides = array<i32>} : memref<2x128xi32, #tpu.memory_space<vmem>>, vector<1x16xi32>,
    %get3A_56 = arith.constant 32 : index
    %get3A_57 = tpu.vector_load %arg5[%get3A_56] {strides = array<i32>} : memref<256xf32, #tpu.memory_space<vmem>>, vector<16xf32>,
    %get3A_58 = vector.shape_cast %get3A_57 : vector<16xf32> to vector<16xf32>
    %mul3A_59 = arith.constant 1.600000e+01 : f32
    %mul3A_60 = vector.broadcast %mul3A_59 : f32 to vector<16xf32>
    %mul3A_61 = arith.mulf %get3A_58, %mul3A_60 : vector<16xf32>
    %convert_element_type3A_62 = arith.fptosi %mul3A_61 : vector<16xf32> to vector<16xi32>
    %max3A_63 = arith.constant 0 : i32
    %max3A_64 = vector.broadcast %max3A_63 : i32 to vector<16xi32>
    %max3A_65 = arith.maxsi %convert_element_type3A_62, %max3A_64 : vector<16xi32>
    %min3A_66 = arith.constant 15 : i32
    %min3A_67 = vector.broadcast %min3A_66 : i32 to vector<16xi32>
    %min3A_68 = arith.minsi %max3A_65, %min3A_67 : vector<16xi32>
    %add3A_69 = arith.constant 32 : i32
    %add3A_70 = arith.addi %mul3A_2, %add3A_69 : i32
    %iota3A_71 = tpu.iota {dimensions = array<i32: 0>} : vector<16xi32>
    %add3A_72 = vector.broadcast %add3A_70 : i32 to vector<16xi32>
    %add3A_73 = arith.addi %add3A_72, %iota3A_71 : vector<16xi32>
    %mul3A_74 = arith.constant 16 : i32
    %mul3A_75 = vector.broadcast %mul3A_74 : i32 to vector<16xi32>
    %mul3A_76 = arith.muli %add3A_73, %mul3A_75 : vector<16xi32>
    %add3A_77 = arith.addi %mul3A_76, %min3A_68 : vector<16xi32>
    %swap3A_78 = arith.constant 0 : i32
    %swap3A_79 = arith.index_cast %swap3A_78 : i32 to index
    %swap3A_80 = arith.constant 32 : index
    %swap3A_81 = tpu.vector_load %arg6[%swap3A_79, %swap3A_80] {strides = array<i32>} : memref<2x128xi32, #tpu.memory_space<vmem>>, vector<1x16xi32>,
    %swap3A_82 = vector.shape_cast %swap3A_81 : vector<1x16xi32> to vector<16xi32>
    %swap3A_83 = vector.shape_cast %add3A_77 : vector<16xi32> to vector<1x16xi32>
    tpu.vector_store %arg6[%swap3A_79, %swap3A_80], %swap3A_83 {strides = array<i32>} : memref<2x128xi32, #tpu.memory_space<vmem>>, vector<1x16xi32>,
    %get3A_84 = arith.constant 48 : index
    %get3A_85 = tpu.vector_load %arg5[%get3A_84] {strides = array<i32>} : memref<256xf32, #tpu.memory_space<vmem>>, vector<16xf32>,
    %get3A_86 = vector.shape_cast %get3A_85 : vector<16xf32> to vector<16xf32>
    %mul3A_87 = arith.constant 1.600000e+01 : f32
    %mul3A_88 = vector.broadcast %mul3A_87 : f32 to vector<16xf32>
    %mul3A_89 = arith.mulf %get3A_86, %mul3A_88 : vector<16xf32>
    %convert_element_type3A_90 = arith.fptosi %mul3A_89 : vector<16xf32> to vector<16xi32>
    %max3A_91 = arith.constant 0 : i32
    %max3A_92 = vector.broadcast %max3A_91 : i32 to vector<16xi32>
    %max3A_93 = arith.maxsi %convert_element_type3A_90, %max3A_92 : vector<16xi32>
    %min3A_94 = arith.constant 15 : i32
    %min3A_95 = vector.broadcast %min3A_94 : i32 to vector<16xi32>
    %min3A_96 = arith.minsi %max3A_93, %min3A_95 : vector<16xi32>
    %add3A_97 = arith.constant 48 : i32
    %add3A_98 = arith.addi %mul3A_2, %add3A_97 : i32
    %iota3A_99 = tpu.iota {dimensions = array<i32: 0>} : vector<16xi32>
    %add3A_100 = vector.broadcast %add3A_98 : i32 to vector<16xi32>
    %add3A_101 = arith.addi %add3A_100, %iota3A_99 : vector<16xi32>
    %mul3A_102 = arith.constant 16 : i32
    %mul3A_103 = vector.broadcast %mul3A_102 : i32 to vector<16xi32>
    %mul3A_104 = arith.muli %add3A_101, %mul3A_103 : vector<16xi32>
    %add3A_105 = arith.addi %mul3A_104, %min3A_96 : vector<16xi32>
    %swap3A_106 = arith.constant 0 : i32
    %swap3A_107 = arith.index_cast %swap3A_106 : i32 to index
    %swap3A_108 = arith.constant 48 : index
    %swap3A_109 = tpu.vector_load %arg6[%swap3A_107, %swap3A_108] {strides = array<i32>} : memref<2x128xi32, #tpu.memory_space<vmem>>, vector<1x16xi32>,
    %swap3A_110 = vector.shape_cast %swap3A_109 : vector<1x16xi32> to vector<16xi32>
    %swap3A_111 = vector.shape_cast %add3A_105 : vector<16xi32> to vector<1x16xi32>
    tpu.vector_store %arg6[%swap3A_107, %swap3A_108], %swap3A_111 {strides = array<i32>} : memref<2x128xi32, #tpu.memory_space<vmem>>, vector<1x16xi32>,
    %get3A_112 = arith.constant 64 : index
    %get3A_113 = tpu.vector_load %arg5[%get3A_112] {strides = array<i32>} : memref<256xf32, #tpu.memory_space<vmem>>, vector<16xf32>,
    %get3A_114 = vector.shape_cast %get3A_113 : vector<16xf32> to vector<16xf32>
    %mul3A_115 = arith.constant 1.600000e+01 : f32
    %mul3A_116 = vector.broadcast %mul3A_115 : f32 to vector<16xf32>
    %mul3A_117 = arith.mulf %get3A_114, %mul3A_116 : vector<16xf32>
    %convert_element_type3A_118 = arith.fptosi %mul3A_117 : vector<16xf32> to vector<16xi32>
    %max3A_119 = arith.constant 0 : i32
    %max3A_120 = vector.broadcast %max3A_119 : i32 to vector<16xi32>
    %max3A_121 = arith.maxsi %convert_element_type3A_118, %max3A_120 : vector<16xi32>
    %min3A_122 = arith.constant 15 : i32
    %min3A_123 = vector.broadcast %min3A_122 : i32 to vector<16xi32>
    %min3A_124 = arith.minsi %max3A_121, %min3A_123 : vector<16xi32>
    %add3A_125 = arith.constant 64 : i32
    %add3A_126 = arith.addi %mul3A_2, %add3A_125 : i32
    %iota3A_127 = tpu.iota {dimensions = array<i32: 0>} : vector<16xi32>
    %add3A_128 = vector.broadcast %add3A_126 : i32 to vector<16xi32>
    %add3A_129 = arith.addi %add3A_128, %iota3A_127 : vector<16xi32>
    %mul3A_130 = arith.constant 16 : i32
    %mul3A_131 = vector.broadcast %mul3A_130 : i32 to vector<16xi32>
    %mul3A_132 = arith.muli %add3A_129, %mul3A_131 : vector<16xi32>
    %add3A_133 = arith.addi %mul3A_132, %min3A_124 : vector<16xi32>
    %swap3A_134 = arith.constant 0 : i32
    %swap3A_135 = arith.index_cast %swap3A_134 : i32 to index
    %swap3A_136 = arith.constant 64 : index
    %swap3A_137 = tpu.vector_load %arg6[%swap3A_135, %swap3A_136] {strides = array<i32>} : memref<2x128xi32, #tpu.memory_space<vmem>>, vector<1x16xi32>,
    %swap3A_138 = vector.shape_cast %swap3A_137 : vector<1x16xi32> to vector<16xi32>
    %swap3A_139 = vector.shape_cast %add3A_133 : vector<16xi32> to vector<1x16xi32>
    tpu.vector_store %arg6[%swap3A_135, %swap3A_136], %swap3A_139 {strides = array<i32>} : memref<2x128xi32, #tpu.memory_space<vmem>>, vector<1x16xi32>,
    %get3A_140 = arith.constant 80 : index
    %get3A_141 = tpu.vector_load %arg5[%get3A_140] {strides = array<i32>} : memref<256xf32, #tpu.memory_space<vmem>>, vector<16xf32>,
    %get3A_142 = vector.shape_cast %get3A_141 : vector<16xf32> to vector<16xf32>
    %mul3A_143 = arith.constant 1.600000e+01 : f32
    %mul3A_144 = vector.broadcast %mul3A_143 : f32 to vector<16xf32>
    %mul3A_145 = arith.mulf %get3A_142, %mul3A_144 : vector<16xf32>
    %convert_element_type3A_146 = arith.fptosi %mul3A_145 : vector<16xf32> to vector<16xi32>
    %max3A_147 = arith.constant 0 : i32
    %max3A_148 = vector.broadcast %max3A_147 : i32 to vector<16xi32>
    %max3A_149 = arith.maxsi %convert_element_type3A_146, %max3A_148 : vector<16xi32>
    %min3A_150 = arith.constant 15 : i32
    %min3A_151 = vector.broadcast %min3A_150 : i32 to vector<16xi32>
    %min3A_152 = arith.minsi %max3A_149, %min3A_151 : vector<16xi32>
    %add3A_153 = arith.constant 80 : i32
    %add3A_154 = arith.addi %mul3A_2, %add3A_153 : i32
    %iota3A_155 = tpu.iota {dimensions = array<i32: 0>} : vector<16xi32>
    %add3A_156 = vector.broadcast %add3A_154 : i32 to vector<16xi32>
    %add3A_157 = arith.addi %add3A_156, %iota3A_155 : vector<16xi32>
    %mul3A_158 = arith.constant 16 : i32
    %mul3A_159 = vector.broadcast %mul3A_158 : i32 to vector<16xi32>
    %mul3A_160 = arith.muli %add3A_157, %mul3A_159 : vector<16xi32>
    %add3A_161 = arith.addi %mul3A_160, %min3A_152 : vector<16xi32>
    %swap3A_162 = arith.constant 0 : i32
    %swap3A_163 = arith.index_cast %swap3A_162 : i32 to index
    %swap3A_164 = arith.constant 80 : index
    %swap3A_165 = tpu.vector_load %arg6[%swap3A_163, %swap3A_164] {strides = array<i32>} : memref<2x128xi32, #tpu.memory_space<vmem>>, vector<1x16xi32>,
    %swap3A_166 = vector.shape_cast %swap3A_165 : vector<1x16xi32> to vector<16xi32>
    %swap3A_167 = vector.shape_cast %add3A_161 : vector<16xi32> to vector<1x16xi32>
    tpu.vector_store %arg6[%swap3A_163, %swap3A_164], %swap3A_167 {strides = array<i32>} : memref<2x128xi32, #tpu.memory_space<vmem>>, vector<1x16xi32>,
    %get3A_168 = arith.constant 96 : index
    %get3A_169 = tpu.vector_load %arg5[%get3A_168] {strides = array<i32>} : memref<256xf32, #tpu.memory_space<vmem>>, vector<16xf32>,
    %get3A_170 = vector.shape_cast %get3A_169 : vector<16xf32> to vector<16xf32>
    %mul3A_171 = arith.constant 1.600000e+01 : f32
    %mul3A_172 = vector.broadcast %mul3A_171 : f32 to vector<16xf32>
    %mul3A_173 = arith.mulf %get3A_170, %mul3A_172 : vector<16xf32>
    %convert_element_type3A_174 = arith.fptosi %mul3A_173 : vector<16xf32> to vector<16xi32>
    %max3A_175 = arith.constant 0 : i32
    %max3A_176 = vector.broadcast %max3A_175 : i32 to vector<16xi32>
    %max3A_177 = arith.maxsi %convert_element_type3A_174, %max3A_176 : vector<16xi32>
    %min3A_178 = arith.constant 15 : i32
    %min3A_179 = vector.broadcast %min3A_178 : i32 to vector<16xi32>
    %min3A_180 = arith.minsi %max3A_177, %min3A_179 : vector<16xi32>
    %add3A_181 = arith.constant 96 : i32
    %add3A_182 = arith.addi %mul3A_2, %add3A_181 : i32
    %iota3A_183 = tpu.iota {dimensions = array<i32: 0>} : vector<16xi32>
    %add3A_184 = vector.broadcast %add3A_182 : i32 to vector<16xi32>
    %add3A_185 = arith.addi %add3A_184, %iota3A_183 : vector<16xi32>
    %mul3A_186 = arith.constant 16 : i32
    %mul3A_187 = vector.broadcast %mul3A_186 : i32 to vector<16xi32>
    %mul3A_188 = arith.muli %add3A_185, %mul3A_187 : vector<16xi32>
    %add3A_189 = arith.addi %mul3A_188, %min3A_180 : vector<16xi32>
    %swap3A_190 = arith.constant 0 : i32
    %swap3A_191 = arith.index_cast %swap3A_190 : i32 to index
    %swap3A_192 = arith.constant 96 : index
    %swap3A_193 = tpu.vector_load %arg6[%swap3A_191, %swap3A_192] {strides = array<i32>} : memref<2x128xi32, #tpu.memory_space<vmem>>, vector<1x16xi32>,
    %swap3A_194 = vector.shape_cast %swap3A_193 : vector<1x16xi32> to vector<16xi32>
    %swap3A_195 = vector.shape_cast %add3A_189 : vector<16xi32> to vector<1x16xi32>
    tpu.vector_store %arg6[%swap3A_191, %swap3A_192], %swap3A_195 {strides = array<i32>} : memref<2x128xi32, #tpu.memory_space<vmem>>, vector<1x16xi32>,
    %get3A_196 = arith.constant 112 : index
    %get3A_197 = tpu.vector_load %arg5[%get3A_196] {strides = array<i32>} : memref<256xf32, #tpu.memory_space<vmem>>, vector<16xf32>,
    %get3A_198 = vector.shape_cast %get3A_197 : vector<16xf32> to vector<16xf32>
    %mul3A_199 = arith.constant 1.600000e+01 : f32
    %mul3A_200 = vector.broadcast %mul3A_199 : f32 to vector<16xf32>
    %mul3A_201 = arith.mulf %get3A_198, %mul3A_200 : vector<16xf32>
    %convert_element_type3A_202 = arith.fptosi %mul3A_201 : vector<16xf32> to vector<16xi32>
    %max3A_203 = arith.constant 0 : i32
    %max3A_204 = vector.broadcast %max3A_203 : i32 to vector<16xi32>
    %max3A_205 = arith.maxsi %convert_element_type3A_202, %max3A_204 : vector<16xi32>
    %min3A_206 = arith.constant 15 : i32
    %min3A_207 = vector.broadcast %min3A_206 : i32 to vector<16xi32>
    %min3A_208 = arith.minsi %max3A_205, %min3A_207 : vector<16xi32>
    %add3A_209 = arith.constant 112 : i32
    %add3A_210 = arith.addi %mul3A_2, %add3A_209 : i32
    %iota3A_211 = tpu.iota {dimensions = array<i32: 0>} : vector<16xi32>
    %add3A_212 = vector.broadcast %add3A_210 : i32 to vector<16xi32>
    %add3A_213 = arith.addi %add3A_212, %iota3A_211 : vector<16xi32>
    %mul3A_214 = arith.constant 16 : i32
    %mul3A_215 = vector.broadcast %mul3A_214 : i32 to vector<16xi32>
    %mul3A_216 = arith.muli %add3A_213, %mul3A_215 : vector<16xi32>
    %add3A_217 = arith.addi %mul3A_216, %min3A_208 : vector<16xi32>
    %swap3A_218 = arith.constant 0 : i32
    %swap3A_219 = arith.index_cast %swap3A_218 : i32 to index
    %swap3A_220 = arith.constant 112 : index
    %swap3A_221 = tpu.vector_load %arg6[%swap3A_219, %swap3A_220] {strides = array<i32>} : memref<2x128xi32, #tpu.memory_space<vmem>>, vector<1x16xi32>,
    %swap3A_222 = vector.shape_cast %swap3A_221 : vector<1x16xi32> to vector<16xi32>
    %swap3A_223 = vector.shape_cast %add3A_217 : vector<16xi32> to vector<1x16xi32>
    tpu.vector_store %arg6[%swap3A_219, %swap3A_220], %swap3A_223 {strides = array<i32>} : memref<2x128xi32, #tpu.memory_space<vmem>>, vector<1x16xi32>,
    %get3A_224 = arith.constant 128 : index
    %get3A_225 = tpu.vector_load %arg5[%get3A_224] {strides = array<i32>} : memref<256xf32, #tpu.memory_space<vmem>>, vector<16xf32>,
    %get3A_226 = vector.shape_cast %get3A_225 : vector<16xf32> to vector<16xf32>
    %mul3A_227 = arith.constant 1.600000e+01 : f32
    %mul3A_228 = vector.broadcast %mul3A_227 : f32 to vector<16xf32>
    %mul3A_229 = arith.mulf %get3A_226, %mul3A_228 : vector<16xf32>
    %convert_element_type3A_230 = arith.fptosi %mul3A_229 : vector<16xf32> to vector<16xi32>
    %max3A_231 = arith.constant 0 : i32
    %max3A_232 = vector.broadcast %max3A_231 : i32 to vector<16xi32>
    %max3A_233 = arith.maxsi %convert_element_type3A_230, %max3A_232 : vector<16xi32>
    %min3A_234 = arith.constant 15 : i32
    %min3A_235 = vector.broadcast %min3A_234 : i32 to vector<16xi32>
    %min3A_236 = arith.minsi %max3A_233, %min3A_235 : vector<16xi32>
    %add3A_237 = arith.constant 128 : i32
    %add3A_238 = arith.addi %mul3A_2, %add3A_237 : i32
    %iota3A_239 = tpu.iota {dimensions = array<i32: 0>} : vector<16xi32>
    %add3A_240 = vector.broadcast %add3A_238 : i32 to vector<16xi32>
    %add3A_241 = arith.addi %add3A_240, %iota3A_239 : vector<16xi32>
    %mul3A_242 = arith.constant 16 : i32
    %mul3A_243 = vector.broadcast %mul3A_242 : i32 to vector<16xi32>
    %mul3A_244 = arith.muli %add3A_241, %mul3A_243 : vector<16xi32>
    %add3A_245 = arith.addi %mul3A_244, %min3A_236 : vector<16xi32>
    %swap3A_246 = arith.constant 1 : i32
    %swap3A_247 = arith.index_cast %swap3A_246 : i32 to index
    %swap3A_248 = arith.constant 0 : index
    %swap3A_249 = tpu.vector_load %arg6[%swap3A_247, %swap3A_248] {strides = array<i32>} : memref<2x128xi32, #tpu.memory_space<vmem>>, vector<1x16xi32>,
    %swap3A_250 = vector.shape_cast %swap3A_249 : vector<1x16xi32> to vector<16xi32>
    %swap3A_251 = vector.shape_cast %add3A_245 : vector<16xi32> to vector<1x16xi32>
    tpu.vector_store %arg6[%swap3A_247, %swap3A_248], %swap3A_251 {strides = array<i32>} : memref<2x128xi32, #tpu.memory_space<vmem>>, vector<1x16xi32>,
    %get3A_252 = arith.constant 144 : index
    %get3A_253 = tpu.vector_load %arg5[%get3A_252] {strides = array<i32>} : memref<256xf32, #tpu.memory_space<vmem>>, vector<16xf32>,
    %get3A_254 = vector.shape_cast %get3A_253 : vector<16xf32> to vector<16xf32>
    %mul3A_255 = arith.constant 1.600000e+01 : f32
    %mul3A_256 = vector.broadcast %mul3A_255 : f32 to vector<16xf32>
    %mul3A_257 = arith.mulf %get3A_254, %mul3A_256 : vector<16xf32>
    %convert_element_type3A_258 = arith.fptosi %mul3A_257 : vector<16xf32> to vector<16xi32>
    %max3A_259 = arith.constant 0 : i32
    %max3A_260 = vector.broadcast %max3A_259 : i32 to vector<16xi32>
    %max3A_261 = arith.maxsi %convert_element_type3A_258, %max3A_260 : vector<16xi32>
    %min3A_262 = arith.constant 15 : i32
    %min3A_263 = vector.broadcast %min3A_262 : i32 to vector<16xi32>
    %min3A_264 = arith.minsi %max3A_261, %min3A_263 : vector<16xi32>
    %add3A_265 = arith.constant 144 : i32
    %add3A_266 = arith.addi %mul3A_2, %add3A_265 : i32
    %iota3A_267 = tpu.iota {dimensions = array<i32: 0>} : vector<16xi32>
    %add3A_268 = vector.broadcast %add3A_266 : i32 to vector<16xi32>
    %add3A_269 = arith.addi %add3A_268, %iota3A_267 : vector<16xi32>
    %mul3A_270 = arith.constant 16 : i32
    %mul3A_271 = vector.broadcast %mul3A_270 : i32 to vector<16xi32>
    %mul3A_272 = arith.muli %add3A_269, %mul3A_271 : vector<16xi32>
    %add3A_273 = arith.addi %mul3A_272, %min3A_264 : vector<16xi32>
    %swap3A_274 = arith.constant 1 : i32
    %swap3A_275 = arith.index_cast %swap3A_274 : i32 to index
    %swap3A_276 = arith.constant 16 : index
    %swap3A_277 = tpu.vector_load %arg6[%swap3A_275, %swap3A_276] {strides = array<i32>} : memref<2x128xi32, #tpu.memory_space<vmem>>, vector<1x16xi32>,
    %swap3A_278 = vector.shape_cast %swap3A_277 : vector<1x16xi32> to vector<16xi32>
    %swap3A_279 = vector.shape_cast %add3A_273 : vector<16xi32> to vector<1x16xi32>
    tpu.vector_store %arg6[%swap3A_275, %swap3A_276], %swap3A_279 {strides = array<i32>} : memref<2x128xi32, #tpu.memory_space<vmem>>, vector<1x16xi32>,
    %get3A_280 = arith.constant 160 : index
    %get3A_281 = tpu.vector_load %arg5[%get3A_280] {strides = array<i32>} : memref<256xf32, #tpu.memory_space<vmem>>, vector<16xf32>,
    %get3A_282 = vector.shape_cast %get3A_281 : vector<16xf32> to vector<16xf32>
    %mul3A_283 = arith.constant 1.600000e+01 : f32
    %mul3A_284 = vector.broadcast %mul3A_283 : f32 to vector<16xf32>
    %mul3A_285 = arith.mulf %get3A_282, %mul3A_284 : vector<16xf32>
    %convert_element_type3A_286 = arith.fptosi %mul3A_285 : vector<16xf32> to vector<16xi32>
    %max3A_287 = arith.constant 0 : i32
    %max3A_288 = vector.broadcast %max3A_287 : i32 to vector<16xi32>
    %max3A_289 = arith.maxsi %convert_element_type3A_286, %max3A_288 : vector<16xi32>
    %min3A_290 = arith.constant 15 : i32
    %min3A_291 = vector.broadcast %min3A_290 : i32 to vector<16xi32>
    %min3A_292 = arith.minsi %max3A_289, %min3A_291 : vector<16xi32>
    %add3A_293 = arith.constant 160 : i32
    %add3A_294 = arith.addi %mul3A_2, %add3A_293 : i32
    %iota3A_295 = tpu.iota {dimensions = array<i32: 0>} : vector<16xi32>
    %add3A_296 = vector.broadcast %add3A_294 : i32 to vector<16xi32>
    %add3A_297 = arith.addi %add3A_296, %iota3A_295 : vector<16xi32>
    %mul3A_298 = arith.constant 16 : i32
    %mul3A_299 = vector.broadcast %mul3A_298 : i32 to vector<16xi32>
    %mul3A_300 = arith.muli %add3A_297, %mul3A_299 : vector<16xi32>
    %add3A_301 = arith.addi %mul3A_300, %min3A_292 : vector<16xi32>
    %swap3A_302 = arith.constant 1 : i32
    %swap3A_303 = arith.index_cast %swap3A_302 : i32 to index
    %swap3A_304 = arith.constant 32 : index
    %swap3A_305 = tpu.vector_load %arg6[%swap3A_303, %swap3A_304] {strides = array<i32>} : memref<2x128xi32, #tpu.memory_space<vmem>>, vector<1x16xi32>,
    %swap3A_306 = vector.shape_cast %swap3A_305 : vector<1x16xi32> to vector<16xi32>
    %swap3A_307 = vector.shape_cast %add3A_301 : vector<16xi32> to vector<1x16xi32>
    tpu.vector_store %arg6[%swap3A_303, %swap3A_304], %swap3A_307 {strides = array<i32>} : memref<2x128xi32, #tpu.memory_space<vmem>>, vector<1x16xi32>,
    %get3A_308 = arith.constant 176 : index
    %get3A_309 = tpu.vector_load %arg5[%get3A_308] {strides = array<i32>} : memref<256xf32, #tpu.memory_space<vmem>>, vector<16xf32>,
    %get3A_310 = vector.shape_cast %get3A_309 : vector<16xf32> to vector<16xf32>
    %mul3A_311 = arith.constant 1.600000e+01 : f32
    %mul3A_312 = vector.broadcast %mul3A_311 : f32 to vector<16xf32>
    %mul3A_313 = arith.mulf %get3A_310, %mul3A_312 : vector<16xf32>
    %convert_element_type3A_314 = arith.fptosi %mul3A_313 : vector<16xf32> to vector<16xi32>
    %max3A_315 = arith.constant 0 : i32
    %max3A_316 = vector.broadcast %max3A_315 : i32 to vector<16xi32>
    %max3A_317 = arith.maxsi %convert_element_type3A_314, %max3A_316 : vector<16xi32>
    %min3A_318 = arith.constant 15 : i32
    %min3A_319 = vector.broadcast %min3A_318 : i32 to vector<16xi32>
    %min3A_320 = arith.minsi %max3A_317, %min3A_319 : vector<16xi32>
    %add3A_321 = arith.constant 176 : i32
    %add3A_322 = arith.addi %mul3A_2, %add3A_321 : i32
    %iota3A_323 = tpu.iota {dimensions = array<i32: 0>} : vector<16xi32>
    %add3A_324 = vector.broadcast %add3A_322 : i32 to vector<16xi32>
    %add3A_325 = arith.addi %add3A_324, %iota3A_323 : vector<16xi32>
    %mul3A_326 = arith.constant 16 : i32
    %mul3A_327 = vector.broadcast %mul3A_326 : i32 to vector<16xi32>
    %mul3A_328 = arith.muli %add3A_325, %mul3A_327 : vector<16xi32>
    %add3A_329 = arith.addi %mul3A_328, %min3A_320 : vector<16xi32>
    %swap3A_330 = arith.constant 1 : i32
    %swap3A_331 = arith.index_cast %swap3A_330 : i32 to index
    %swap3A_332 = arith.constant 48 : index
    %swap3A_333 = tpu.vector_load %arg6[%swap3A_331, %swap3A_332] {strides = array<i32>} : memref<2x128xi32, #tpu.memory_space<vmem>>, vector<1x16xi32>,
    %swap3A_334 = vector.shape_cast %swap3A_333 : vector<1x16xi32> to vector<16xi32>
    %swap3A_335 = vector.shape_cast %add3A_329 : vector<16xi32> to vector<1x16xi32>
    tpu.vector_store %arg6[%swap3A_331, %swap3A_332], %swap3A_335 {strides = array<i32>} : memref<2x128xi32, #tpu.memory_space<vmem>>, vector<1x16xi32>,
    %get3A_336 = arith.constant 192 : index
    %get3A_337 = tpu.vector_load %arg5[%get3A_336] {strides = array<i32>} : memref<256xf32, #tpu.memory_space<vmem>>, vector<16xf32>,
    %get3A_338 = vector.shape_cast %get3A_337 : vector<16xf32> to vector<16xf32>
    %mul3A_339 = arith.constant 1.600000e+01 : f32
    %mul3A_340 = vector.broadcast %mul3A_339 : f32 to vector<16xf32>
    %mul3A_341 = arith.mulf %get3A_338, %mul3A_340 : vector<16xf32>
    %convert_element_type3A_342 = arith.fptosi %mul3A_341 : vector<16xf32> to vector<16xi32>
    %max3A_343 = arith.constant 0 : i32
    %max3A_344 = vector.broadcast %max3A_343 : i32 to vector<16xi32>
    %max3A_345 = arith.maxsi %convert_element_type3A_342, %max3A_344 : vector<16xi32>
    %min3A_346 = arith.constant 15 : i32
    %min3A_347 = vector.broadcast %min3A_346 : i32 to vector<16xi32>
    %min3A_348 = arith.minsi %max3A_345, %min3A_347 : vector<16xi32>
    %add3A_349 = arith.constant 192 : i32
    %add3A_350 = arith.addi %mul3A_2, %add3A_349 : i32
    %iota3A_351 = tpu.iota {dimensions = array<i32: 0>} : vector<16xi32>
    %add3A_352 = vector.broadcast %add3A_350 : i32 to vector<16xi32>
    %add3A_353 = arith.addi %add3A_352, %iota3A_351 : vector<16xi32>
    %mul3A_354 = arith.constant 16 : i32
    %mul3A_355 = vector.broadcast %mul3A_354 : i32 to vector<16xi32>
    %mul3A_356 = arith.muli %add3A_353, %mul3A_355 : vector<16xi32>
    %add3A_357 = arith.addi %mul3A_356, %min3A_348 : vector<16xi32>
    %swap3A_358 = arith.constant 1 : i32
    %swap3A_359 = arith.index_cast %swap3A_358 : i32 to index
    %swap3A_360 = arith.constant 64 : index
    %swap3A_361 = tpu.vector_load %arg6[%swap3A_359, %swap3A_360] {strides = array<i32>} : memref<2x128xi32, #tpu.memory_space<vmem>>, vector<1x16xi32>,
    %swap3A_362 = vector.shape_cast %swap3A_361 : vector<1x16xi32> to vector<16xi32>
    %swap3A_363 = vector.shape_cast %add3A_357 : vector<16xi32> to vector<1x16xi32>
    tpu.vector_store %arg6[%swap3A_359, %swap3A_360], %swap3A_363 {strides = array<i32>} : memref<2x128xi32, #tpu.memory_space<vmem>>, vector<1x16xi32>,
    %get3A_364 = arith.constant 208 : index
    %get3A_365 = tpu.vector_load %arg5[%get3A_364] {strides = array<i32>} : memref<256xf32, #tpu.memory_space<vmem>>, vector<16xf32>,
    %get3A_366 = vector.shape_cast %get3A_365 : vector<16xf32> to vector<16xf32>
    %mul3A_367 = arith.constant 1.600000e+01 : f32
    %mul3A_368 = vector.broadcast %mul3A_367 : f32 to vector<16xf32>
    %mul3A_369 = arith.mulf %get3A_366, %mul3A_368 : vector<16xf32>
    %convert_element_type3A_370 = arith.fptosi %mul3A_369 : vector<16xf32> to vector<16xi32>
    %max3A_371 = arith.constant 0 : i32
    %max3A_372 = vector.broadcast %max3A_371 : i32 to vector<16xi32>
    %max3A_373 = arith.maxsi %convert_element_type3A_370, %max3A_372 : vector<16xi32>
    %min3A_374 = arith.constant 15 : i32
    %min3A_375 = vector.broadcast %min3A_374 : i32 to vector<16xi32>
    %min3A_376 = arith.minsi %max3A_373, %min3A_375 : vector<16xi32>
    %add3A_377 = arith.constant 208 : i32
    %add3A_378 = arith.addi %mul3A_2, %add3A_377 : i32
    %iota3A_379 = tpu.iota {dimensions = array<i32: 0>} : vector<16xi32>
    %add3A_380 = vector.broadcast %add3A_378 : i32 to vector<16xi32>
    %add3A_381 = arith.addi %add3A_380, %iota3A_379 : vector<16xi32>
    %mul3A_382 = arith.constant 16 : i32
    %mul3A_383 = vector.broadcast %mul3A_382 : i32 to vector<16xi32>
    %mul3A_384 = arith.muli %add3A_381, %mul3A_383 : vector<16xi32>
    %add3A_385 = arith.addi %mul3A_384, %min3A_376 : vector<16xi32>
    %swap3A_386 = arith.constant 1 : i32
    %swap3A_387 = arith.index_cast %swap3A_386 : i32 to index
    %swap3A_388 = arith.constant 80 : index
    %swap3A_389 = tpu.vector_load %arg6[%swap3A_387, %swap3A_388] {strides = array<i32>} : memref<2x128xi32, #tpu.memory_space<vmem>>, vector<1x16xi32>,
    %swap3A_390 = vector.shape_cast %swap3A_389 : vector<1x16xi32> to vector<16xi32>
    %swap3A_391 = vector.shape_cast %add3A_385 : vector<16xi32> to vector<1x16xi32>
    tpu.vector_store %arg6[%swap3A_387, %swap3A_388], %swap3A_391 {strides = array<i32>} : memref<2x128xi32, #tpu.memory_space<vmem>>, vector<1x16xi32>,
    %get3A_392 = arith.constant 224 : index
    %get3A_393 = tpu.vector_load %arg5[%get3A_392] {strides = array<i32>} : memref<256xf32, #tpu.memory_space<vmem>>, vector<16xf32>,
    %get3A_394 = vector.shape_cast %get3A_393 : vector<16xf32> to vector<16xf32>
    %mul3A_395 = arith.constant 1.600000e+01 : f32
    %mul3A_396 = vector.broadcast %mul3A_395 : f32 to vector<16xf32>
    %mul3A_397 = arith.mulf %get3A_394, %mul3A_396 : vector<16xf32>
    %convert_element_type3A_398 = arith.fptosi %mul3A_397 : vector<16xf32> to vector<16xi32>
    %max3A_399 = arith.constant 0 : i32
    %max3A_400 = vector.broadcast %max3A_399 : i32 to vector<16xi32>
    %max3A_401 = arith.maxsi %convert_element_type3A_398, %max3A_400 : vector<16xi32>
    %min3A_402 = arith.constant 15 : i32
    %min3A_403 = vector.broadcast %min3A_402 : i32 to vector<16xi32>
    %min3A_404 = arith.minsi %max3A_401, %min3A_403 : vector<16xi32>
    %add3A_405 = arith.constant 224 : i32
    %add3A_406 = arith.addi %mul3A_2, %add3A_405 : i32
    %iota3A_407 = tpu.iota {dimensions = array<i32: 0>} : vector<16xi32>
    %add3A_408 = vector.broadcast %add3A_406 : i32 to vector<16xi32>
    %add3A_409 = arith.addi %add3A_408, %iota3A_407 : vector<16xi32>
    %mul3A_410 = arith.constant 16 : i32
    %mul3A_411 = vector.broadcast %mul3A_410 : i32 to vector<16xi32>
    %mul3A_412 = arith.muli %add3A_409, %mul3A_411 : vector<16xi32>
    %add3A_413 = arith.addi %mul3A_412, %min3A_404 : vector<16xi32>
    %swap3A_414 = arith.constant 1 : i32
    %swap3A_415 = arith.index_cast %swap3A_414 : i32 to index
    %swap3A_416 = arith.constant 96 : index
    %swap3A_417 = tpu.vector_load %arg6[%swap3A_415, %swap3A_416] {strides = array<i32>} : memref<2x128xi32, #tpu.memory_space<vmem>>, vector<1x16xi32>,
    %swap3A_418 = vector.shape_cast %swap3A_417 : vector<1x16xi32> to vector<16xi32>
    %swap3A_419 = vector.shape_cast %add3A_413 : vector<16xi32> to vector<1x16xi32>
    tpu.vector_store %arg6[%swap3A_415, %swap3A_416], %swap3A_419 {strides = array<i32>} : memref<2x128xi32, #tpu.memory_space<vmem>>, vector<1x16xi32>,
    %get3A_420 = arith.constant 240 : index
    %get3A_421 = tpu.vector_load %arg5[%get3A_420] {strides = array<i32>} : memref<256xf32, #tpu.memory_space<vmem>>, vector<16xf32>,
    %get3A_422 = vector.shape_cast %get3A_421 : vector<16xf32> to vector<16xf32>
    %mul3A_423 = arith.constant 1.600000e+01 : f32
    %mul3A_424 = vector.broadcast %mul3A_423 : f32 to vector<16xf32>
    %mul3A_425 = arith.mulf %get3A_422, %mul3A_424 : vector<16xf32>
    %convert_element_type3A_426 = arith.fptosi %mul3A_425 : vector<16xf32> to vector<16xi32>
    %max3A_427 = arith.constant 0 : i32
    %max3A_428 = vector.broadcast %max3A_427 : i32 to vector<16xi32>
    %max3A_429 = arith.maxsi %convert_element_type3A_426, %max3A_428 : vector<16xi32>
    %min3A_430 = arith.constant 15 : i32
    %min3A_431 = vector.broadcast %min3A_430 : i32 to vector<16xi32>
    %min3A_432 = arith.minsi %max3A_429, %min3A_431 : vector<16xi32>
    %add3A_433 = arith.constant 240 : i32
    %add3A_434 = arith.addi %mul3A_2, %add3A_433 : i32
    %iota3A_435 = tpu.iota {dimensions = array<i32: 0>} : vector<16xi32>
    %add3A_436 = vector.broadcast %add3A_434 : i32 to vector<16xi32>
    %add3A_437 = arith.addi %add3A_436, %iota3A_435 : vector<16xi32>
    %mul3A_438 = arith.constant 16 : i32
    %mul3A_439 = vector.broadcast %mul3A_438 : i32 to vector<16xi32>
    %mul3A_440 = arith.muli %add3A_437, %mul3A_439 : vector<16xi32>
    %add3A_441 = arith.addi %mul3A_440, %min3A_432 : vector<16xi32>
    %swap3A_442 = arith.constant 1 : i32
    %swap3A_443 = arith.index_cast %swap3A_442 : i32 to index
    %swap3A_444 = arith.constant 112 : index
    %swap3A_445 = tpu.vector_load %arg6[%swap3A_443, %swap3A_444] {strides = array<i32>} : memref<2x128xi32, #tpu.memory_space<vmem>>, vector<1x16xi32>,
    %swap3A_446 = vector.shape_cast %swap3A_445 : vector<1x16xi32> to vector<16xi32>
    %swap3A_447 = vector.shape_cast %add3A_441 : vector<16xi32> to vector<1x16xi32>
    tpu.vector_store %arg6[%swap3A_443, %swap3A_444], %swap3A_447 {strides = array<i32>} : memref<2x128xi32, #tpu.memory_space<vmem>>, vector<1x16xi32>,
    %dma_start3A = arith.constant 0 : i32
    %dma_start3A_448 = arith.constant 0 : i32
    %dma_start3A_449 = arith.constant 0 : i32
    %dma_start3A_450 = tpu.memref_slice %arg7[%dma_start3A_448, %dma_start3A_449] : memref<256x128xf32, #tpu.memory_space<vmem>> -> memref<128x128xf32, #tpu.memory_space<vmem>>
    %dma_start3A_451 = arith.constant 0 : i32
    %dma_start3A_452 = tpu.memref_slice %arg6[%dma_start3A, %dma_start3A_451] : memref<2x128xi32, #tpu.memory_space<vmem>> -> memref<1x128xi32, #tpu.memory_space<vmem>>
    %dma_start3A_453 = tpu.memref_squeeze %dma_start3A_452 : memref<1x128xi32, #tpu.memory_space<vmem>> -> memref<128xi32, #tpu.memory_space<vmem>>
    %dma_start3A_454 = arith.constant 0 : i32
    %dma_start3A_455 = arith.constant 0 : i32
    %dma_start3A_456 = tpu.memref_slice %arg2[%dma_start3A_454, %dma_start3A_455] : memref<131072x128xf32, #tpu.memory_space<hbm>> -> memref<131072x128xf32, #tpu.memory_space<hbm>>
    tpu.enqueue_indirect_dma source(%dma_start3A_456 : memref<131072x128xf32, #tpu.memory_space<hbm>>) target(%dma_start3A_450 : memref<128x128xf32, #tpu.memory_space<vmem>>) offsets(%dma_start3A_453 : memref<128xi32, #tpu.memory_space<vmem>>) semaphore(%arg8 : memref<!tpu.dma_semaphore, #tpu.memory_space<semaphore_mem>>)
    %dma_start3A_457 = arith.constant 1 : i32
    %dma_start3A_458 = arith.constant 128 : i32
    %dma_start3A_459 = arith.constant 0 : i32
    %dma_start3A_460 = tpu.memref_slice %arg7[%dma_start3A_458, %dma_start3A_459] : memref<256x128xf32, #tpu.memory_space<vmem>> -> memref<128x128xf32, #tpu.memory_space<vmem>>
    %dma_start3A_461 = arith.constant 0 : i32
    %dma_start3A_462 = tpu.memref_slice %arg6[%dma_start3A_457, %dma_start3A_461] : memref<2x128xi32, #tpu.memory_space<vmem>> -> memref<1x128xi32, #tpu.memory_space<vmem>>
    %dma_start3A_463 = tpu.memref_squeeze %dma_start3A_462 : memref<1x128xi32, #tpu.memory_space<vmem>> -> memref<128xi32, #tpu.memory_space<vmem>>
    %dma_start3A_464 = arith.constant 0 : i32
    %dma_start3A_465 = arith.constant 0 : i32
    %dma_start3A_466 = tpu.memref_slice %arg2[%dma_start3A_464, %dma_start3A_465] : memref<131072x128xf32, #tpu.memory_space<hbm>> -> memref<131072x128xf32, #tpu.memory_space<hbm>>
    tpu.enqueue_indirect_dma source(%dma_start3A_466 : memref<131072x128xf32, #tpu.memory_space<hbm>>) target(%dma_start3A_460 : memref<128x128xf32, #tpu.memory_space<vmem>>) offsets(%dma_start3A_463 : memref<128xi32, #tpu.memory_space<vmem>>) semaphore(%arg8 : memref<!tpu.dma_semaphore, #tpu.memory_space<semaphore_mem>>)
    %dma_wait3A = arith.constant 0 : i32
    %dma_wait3A_467 = arith.constant 0 : i32
    %dma_wait3A_468 = arith.constant 0 : i32
    %dma_wait3A_469 = tpu.memref_slice %arg7[%dma_wait3A_467, %dma_wait3A_468] : memref<256x128xf32, #tpu.memory_space<vmem>> -> memref<128x128xf32, #tpu.memory_space<vmem>>
    %dma_wait3A_470 = arith.constant 0 : i32
    %dma_wait3A_471 = tpu.memref_slice %arg6[%dma_wait3A, %dma_wait3A_470] : memref<2x128xi32, #tpu.memory_space<vmem>> -> memref<1x128xi32, #tpu.memory_space<vmem>>
    %dma_wait3A_472 = tpu.memref_squeeze %dma_wait3A_471 : memref<1x128xi32, #tpu.memory_space<vmem>> -> memref<128xi32, #tpu.memory_space<vmem>>
    %dma_wait3A_473 = arith.constant 0 : i32
    %dma_wait3A_474 = arith.constant 0 : i32
    %dma_wait3A_475 = tpu.memref_slice %arg2[%dma_wait3A_473, %dma_wait3A_474] : memref<131072x128xf32, #tpu.memory_space<hbm>> -> memref<131072x128xf32, #tpu.memory_space<hbm>>
    tpu.wait_indirect_dma semaphore(%arg8 : memref<!tpu.dma_semaphore, #tpu.memory_space<semaphore_mem>>) src(%dma_wait3A_475 : memref<131072x128xf32, #tpu.memory_space<hbm>>) dst(%dma_wait3A_469 : memref<128x128xf32, #tpu.memory_space<vmem>>)
    %dma_wait3A_476 = arith.constant 1 : i32
    %dma_wait3A_477 = arith.constant 128 : i32
    %dma_wait3A_478 = arith.constant 0 : i32
    %dma_wait3A_479 = tpu.memref_slice %arg7[%dma_wait3A_477, %dma_wait3A_478] : memref<256x128xf32, #tpu.memory_space<vmem>> -> memref<128x128xf32, #tpu.memory_space<vmem>>
    %dma_wait3A_480 = arith.constant 0 : i32
    %dma_wait3A_481 = tpu.memref_slice %arg6[%dma_wait3A_476, %dma_wait3A_480] : memref<2x128xi32, #tpu.memory_space<vmem>> -> memref<1x128xi32, #tpu.memory_space<vmem>>
    %dma_wait3A_482 = tpu.memref_squeeze %dma_wait3A_481 : memref<1x128xi32, #tpu.memory_space<vmem>> -> memref<128xi32, #tpu.memory_space<vmem>>
    %dma_wait3A_483 = arith.constant 0 : i32
    %dma_wait3A_484 = arith.constant 0 : i32
    %dma_wait3A_485 = tpu.memref_slice %arg2[%dma_wait3A_483, %dma_wait3A_484] : memref<131072x128xf32, #tpu.memory_space<hbm>> -> memref<131072x128xf32, #tpu.memory_space<hbm>>
    tpu.wait_indirect_dma semaphore(%arg8 : memref<!tpu.dma_semaphore, #tpu.memory_space<semaphore_mem>>) src(%dma_wait3A_485 : memref<131072x128xf32, #tpu.memory_space<hbm>>) dst(%dma_wait3A_479 : memref<128x128xf32, #tpu.memory_space<vmem>>)
    "tpu.region"() ({
      %run_scoped3A = tpu.sem_alloc : memref<!tpu.dma_semaphore, #tpu.memory_space<semaphore_mem>>
      %dma_start3A_486 = arith.constant 0 : i32
      %dma_start3A_487 = tpu.memref_slice %arg4[%mul3A_2, %dma_start3A_486] : memref<8192x128xf32, #tpu.memory_space<hbm>> -> memref<256x128xf32, #tpu.memory_space<hbm>>
      %dma_start3A_488 = arith.constant 0 : i32
      %dma_start3A_489 = tpu.memref_slice %arg4[%mul3A_2, %dma_start3A_488] : memref<8192x128xf32, #tpu.memory_space<hbm>> -> memref<256x128xf32, #tpu.memory_space<hbm>>
      tpu.enqueue_dma source(%arg7 : memref<256x128xf32, #tpu.memory_space<vmem>>) target(%dma_start3A_489 : memref<256x128xf32, #tpu.memory_space<hbm>>) target_semaphore(%run_scoped3A : memref<!tpu.dma_semaphore, #tpu.memory_space<semaphore_mem>>)
      %dma_wait3A_490 = arith.constant 0 : i32
      %dma_wait3A_491 = tpu.memref_slice %arg4[%mul3A_2, %dma_wait3A_490] : memref<8192x128xf32, #tpu.memory_space<hbm>> -> memref<256x128xf32, #tpu.memory_space<hbm>>
      %dma_wait3A_492 = arith.constant 0 : i32
      %dma_wait3A_493 = tpu.memref_slice %arg4[%mul3A_2, %dma_wait3A_492] : memref<8192x128xf32, #tpu.memory_space<hbm>> -> memref<256x128xf32, #tpu.memory_space<hbm>>
      tpu.wait_dma2 semaphore(%run_scoped3A : memref<!tpu.dma_semaphore, #tpu.memory_space<semaphore_mem>>) src(%arg7 : memref<256x128xf32, #tpu.memory_space<vmem>>) dst(%dma_wait3A_493 : memref<256x128xf32, #tpu.memory_space<hbm>>)
      tpu.yield
    }) : () -> ()
    return
  }
}

module attributes {stable_mosaic.version = 14 : i64} {
  func.func @_stage1_body(%arg0: i32, %arg1: i32, %arg2: memref<1x256x128xf32, #tpu.memory_space<vmem>>, %arg3: memref<256x1xf32, #tpu.memory_space<vmem>>, %arg4: memref<2048x32xf32, #tpu.memory_space<vmem>>, %arg5: memref<16x32xf32, #tpu.memory_space<vmem>>, %arg6: memref<16x32xf32, #tpu.memory_space<vmem>>, %arg7: memref<16x1xf32, #tpu.memory_space<vmem>>, %arg8: memref<16x1xf32, #tpu.memory_space<vmem>>, %arg9: memref<2048x128xf32, #tpu.memory_space<vmem>>, %arg10: memref<2048x128xf32, #tpu.memory_space<vmem>>, %arg11: memref<2048x128xf32, #tpu.memory_space<vmem>>, %arg12: memref<5x16x128xf32, #tpu.memory_space<vmem>>, %arg13: memref<1x256x5xf32, #tpu.memory_space<vmem>>, %arg14: memref<1x256x5xf32, #tpu.memory_space<vmem>>, %arg15: memref<1x256x128xf32, #tpu.memory_space<vmem>>) attributes {dimension_semantics = [#tpu.dimension_semantics<parallel>, #tpu.dimension_semantics<parallel>], iteration_bounds = array<i64: 4, 8>, scalar_prefetch = 0 : i64, scratch_operands = 0 : i64, tpu.core_type = #tpu.core_type<tc>, window_params = [{transform_indices = @transform_0, window_bounds = array<i64: 1, 256, 128>}, {transform_indices = @transform_1, window_bounds = array<i64: 256, 1>}, {pipeline_mode = #tpu.pipeline_mode<synchronous>, transform_indices = @transform_2, window_bounds = array<i64: 2048, 32>}, {pipeline_mode = #tpu.pipeline_mode<synchronous>, transform_indices = @transform_3, window_bounds = array<i64: 16, 32>}, {pipeline_mode = #tpu.pipeline_mode<synchronous>, transform_indices = @transform_4, window_bounds = array<i64: 16, 32>}, {pipeline_mode = #tpu.pipeline_mode<synchronous>, transform_indices = @transform_5, window_bounds = array<i64: 16, 1>}, {pipeline_mode = #tpu.pipeline_mode<synchronous>, transform_indices = @transform_6, window_bounds = array<i64: 16, 1>}, {pipeline_mode = #tpu.pipeline_mode<synchronous>, transform_indices = @transform_7, window_bounds = array<i64: 2048, 128>}, {pipeline_mode = #tpu.pipeline_mode<synchronous>, transform_indices = @transform_8, window_bounds = array<i64: 2048, 128>}, {pipeline_mode = #tpu.pipeline_mode<synchronous>, transform_indices = @transform_9, window_bounds = array<i64: 2048, 128>}, {pipeline_mode = #tpu.pipeline_mode<synchronous>, transform_indices = @transform_10, window_bounds = array<i64: 5, 16, 128>}, {transform_indices = @transform_11, window_bounds = array<i64: 1, 256, 5>}, {transform_indices = @transform_12, window_bounds = array<i64: 1, 256, 5>}, {transform_indices = @transform_13, window_bounds = array<i64: 1, 256, 128>}]} {
    %get3A = arith.constant 0 : index
    %get3A_0 = arith.constant 0 : index
    %get3A_1 = arith.constant 0 : index
    %get3A_2 = vector.load %arg2[%get3A, %get3A_0, %get3A_1] : memref<1x256x128xf32, #tpu.memory_space<vmem>>, vector<1x256x128xf32>
    %get3A_3 = vector.shape_cast %get3A_2 : vector<1x256x128xf32> to vector<256x128xf32>
    %get3A_4 = arith.constant 0 : index
    %get3A_5 = arith.constant 0 : index
    %get3A_6 = vector.load %arg3[%get3A_4, %get3A_5] : memref<256x1xf32, #tpu.memory_space<vmem>>, vector<256x1xf32>
    %mul3A = arith.constant 1.600000e+01 : f32
    %mul3A_7 = vector.broadcast %mul3A : f32 to vector<256x1xf32>
    %mul3A_8 = arith.mulf %get3A_6, %mul3A_7 : vector<256x1xf32>
    %floor3A = math.floor %mul3A_8 : vector<256x1xf32>
    %convert_element_type3A = arith.fptosi %floor3A : vector<256x1xf32> to vector<256x1xi32>
    %jit3A = arith.constant 0 : i32
    %jit3A_9 = arith.constant 15 : i32
    %max3A = vector.broadcast %jit3A : i32 to vector<256x1xi32>
    %max3A_10 = arith.maxsi %max3A, %convert_element_type3A : vector<256x1xi32>
    %min3A = vector.broadcast %jit3A_9 : i32 to vector<256x1xi32>
    %min3A_11 = arith.minsi %min3A, %max3A_10 : vector<256x1xi32>
    %iota3A = tpu.iota {dimensions = array<i32: 1>} : vector<256x16xi32>
    %eq3A = vector.broadcast %min3A_11 : vector<256x1xi32> to vector<256x16xi32>
    %eq3A_12 = arith.cmpi eq, %iota3A, %eq3A : vector<256x16xi32>
    %convert_element_type3A_13 = arith.extui %eq3A_12 : vector<256x16xi1> to vector<256x16xi32>
    %convert_element_type3A_14 = arith.sitofp %convert_element_type3A_13 : vector<256x16xi32> to vector<256x16xf32>
    %slice3A = vector.extract_strided_slice %convert_element_type3A_14 {offsets = [0, 0], sizes = [256, 1], strides = [1, 1]} : vector<256x16xf32> to vector<256x1xf32>
    %mul3A_15 = vector.broadcast %slice3A : vector<256x1xf32> to vector<256x128xf32>
    %mul3A_16 = arith.mulf %get3A_3, %mul3A_15 : vector<256x128xf32>
    %slice3A_17 = vector.extract_strided_slice %convert_element_type3A_14 {offsets = [0, 1], sizes = [256, 1], strides = [1, 1]} : vector<256x16xf32> to vector<256x1xf32>
    %mul3A_18 = vector.broadcast %slice3A_17 : vector<256x1xf32> to vector<256x128xf32>
    %mul3A_19 = arith.mulf %get3A_3, %mul3A_18 : vector<256x128xf32>
    %slice3A_20 = vector.extract_strided_slice %convert_element_type3A_14 {offsets = [0, 2], sizes = [256, 1], strides = [1, 1]} : vector<256x16xf32> to vector<256x1xf32>
    %mul3A_21 = vector.broadcast %slice3A_20 : vector<256x1xf32> to vector<256x128xf32>
    %mul3A_22 = arith.mulf %get3A_3, %mul3A_21 : vector<256x128xf32>
    %slice3A_23 = vector.extract_strided_slice %convert_element_type3A_14 {offsets = [0, 3], sizes = [256, 1], strides = [1, 1]} : vector<256x16xf32> to vector<256x1xf32>
    %mul3A_24 = vector.broadcast %slice3A_23 : vector<256x1xf32> to vector<256x128xf32>
    %mul3A_25 = arith.mulf %get3A_3, %mul3A_24 : vector<256x128xf32>
    %slice3A_26 = vector.extract_strided_slice %convert_element_type3A_14 {offsets = [0, 4], sizes = [256, 1], strides = [1, 1]} : vector<256x16xf32> to vector<256x1xf32>
    %mul3A_27 = vector.broadcast %slice3A_26 : vector<256x1xf32> to vector<256x128xf32>
    %mul3A_28 = arith.mulf %get3A_3, %mul3A_27 : vector<256x128xf32>
    %slice3A_29 = vector.extract_strided_slice %convert_element_type3A_14 {offsets = [0, 5], sizes = [256, 1], strides = [1, 1]} : vector<256x16xf32> to vector<256x1xf32>
    %mul3A_30 = vector.broadcast %slice3A_29 : vector<256x1xf32> to vector<256x128xf32>
    %mul3A_31 = arith.mulf %get3A_3, %mul3A_30 : vector<256x128xf32>
    %slice3A_32 = vector.extract_strided_slice %convert_element_type3A_14 {offsets = [0, 6], sizes = [256, 1], strides = [1, 1]} : vector<256x16xf32> to vector<256x1xf32>
    %mul3A_33 = vector.broadcast %slice3A_32 : vector<256x1xf32> to vector<256x128xf32>
    %mul3A_34 = arith.mulf %get3A_3, %mul3A_33 : vector<256x128xf32>
    %slice3A_35 = vector.extract_strided_slice %convert_element_type3A_14 {offsets = [0, 7], sizes = [256, 1], strides = [1, 1]} : vector<256x16xf32> to vector<256x1xf32>
    %mul3A_36 = vector.broadcast %slice3A_35 : vector<256x1xf32> to vector<256x128xf32>
    %mul3A_37 = arith.mulf %get3A_3, %mul3A_36 : vector<256x128xf32>
    %slice3A_38 = vector.extract_strided_slice %convert_element_type3A_14 {offsets = [0, 8], sizes = [256, 1], strides = [1, 1]} : vector<256x16xf32> to vector<256x1xf32>
    %mul3A_39 = vector.broadcast %slice3A_38 : vector<256x1xf32> to vector<256x128xf32>
    %mul3A_40 = arith.mulf %get3A_3, %mul3A_39 : vector<256x128xf32>
    %slice3A_41 = vector.extract_strided_slice %convert_element_type3A_14 {offsets = [0, 9], sizes = [256, 1], strides = [1, 1]} : vector<256x16xf32> to vector<256x1xf32>
    %mul3A_42 = vector.broadcast %slice3A_41 : vector<256x1xf32> to vector<256x128xf32>
    %mul3A_43 = arith.mulf %get3A_3, %mul3A_42 : vector<256x128xf32>
    %slice3A_44 = vector.extract_strided_slice %convert_element_type3A_14 {offsets = [0, 10], sizes = [256, 1], strides = [1, 1]} : vector<256x16xf32> to vector<256x1xf32>
    %mul3A_45 = vector.broadcast %slice3A_44 : vector<256x1xf32> to vector<256x128xf32>
    %mul3A_46 = arith.mulf %get3A_3, %mul3A_45 : vector<256x128xf32>
    %slice3A_47 = vector.extract_strided_slice %convert_element_type3A_14 {offsets = [0, 11], sizes = [256, 1], strides = [1, 1]} : vector<256x16xf32> to vector<256x1xf32>
    %mul3A_48 = vector.broadcast %slice3A_47 : vector<256x1xf32> to vector<256x128xf32>
    %mul3A_49 = arith.mulf %get3A_3, %mul3A_48 : vector<256x128xf32>
    %slice3A_50 = vector.extract_strided_slice %convert_element_type3A_14 {offsets = [0, 12], sizes = [256, 1], strides = [1, 1]} : vector<256x16xf32> to vector<256x1xf32>
    %mul3A_51 = vector.broadcast %slice3A_50 : vector<256x1xf32> to vector<256x128xf32>
    %mul3A_52 = arith.mulf %get3A_3, %mul3A_51 : vector<256x128xf32>
    %slice3A_53 = vector.extract_strided_slice %convert_element_type3A_14 {offsets = [0, 13], sizes = [256, 1], strides = [1, 1]} : vector<256x16xf32> to vector<256x1xf32>
    %mul3A_54 = vector.broadcast %slice3A_53 : vector<256x1xf32> to vector<256x128xf32>
    %mul3A_55 = arith.mulf %get3A_3, %mul3A_54 : vector<256x128xf32>
    %slice3A_56 = vector.extract_strided_slice %convert_element_type3A_14 {offsets = [0, 14], sizes = [256, 1], strides = [1, 1]} : vector<256x16xf32> to vector<256x1xf32>
    %mul3A_57 = vector.broadcast %slice3A_56 : vector<256x1xf32> to vector<256x128xf32>
    %mul3A_58 = arith.mulf %get3A_3, %mul3A_57 : vector<256x128xf32>
    %slice3A_59 = vector.extract_strided_slice %convert_element_type3A_14 {offsets = [0, 15], sizes = [256, 1], strides = [1, 1]} : vector<256x16xf32> to vector<256x1xf32>
    %mul3A_60 = vector.broadcast %slice3A_59 : vector<256x1xf32> to vector<256x128xf32>
    %mul3A_61 = arith.mulf %get3A_3, %mul3A_60 : vector<256x128xf32>
    %concatenate3A = tpu.concatenate %mul3A_16, %mul3A_19, %mul3A_22, %mul3A_25, %mul3A_28, %mul3A_31, %mul3A_34, %mul3A_37, %mul3A_40, %mul3A_43, %mul3A_46, %mul3A_49, %mul3A_52, %mul3A_55, %mul3A_58, %mul3A_61 in 1 : vector<256x128xf32>, vector<256x128xf32>, vector<256x128xf32>, vector<256x128xf32>, vector<256x128xf32>, vector<256x128xf32>, vector<256x128xf32>, vector<256x128xf32>, vector<256x128xf32>, vector<256x128xf32>, vector<256x128xf32>, vector<256x128xf32>, vector<256x128xf32>, vector<256x128xf32>, vector<256x128xf32>, vector<256x128xf32> -> vector<256x2048xf32>
    %get3A_62 = arith.constant 0 : index
    %get3A_63 = arith.constant 0 : index
    %get3A_64 = vector.load %arg4[%get3A_62, %get3A_63] : memref<2048x32xf32, #tpu.memory_space<vmem>>, vector<2048x32xf32>
    %dot_general3A = arith.constant dense<0.000000e+00> : vector<256x32xf32>
    %dot_general3A_65 = tpu.matmul %concatenate3A, %get3A_64, %dot_general3A {dimension_numbers = #tpu.dot_dimension_numbers<[1], [0], [0], [1], [0, 0, 1, 1], [], []>, transpose_lhs_hint = false} : vector<256x2048xf32>, vector<2048x32xf32>, vector<256x32xf32> -> vector<256x32xf32>
    %get3A_66 = arith.constant 0 : index
    %get3A_67 = arith.constant 0 : index
    %get3A_68 = vector.load %arg5[%get3A_66, %get3A_67] : memref<16x32xf32, #tpu.memory_space<vmem>>, vector<16x32xf32>
    %dot_general3A_69 = arith.constant dense<0.000000e+00> : vector<256x32xf32>
    %dot_general3A_70 = tpu.matmul %convert_element_type3A_14, %get3A_68, %dot_general3A_69 {dimension_numbers = #tpu.dot_dimension_numbers<[1], [0], [0], [1], [0, 0, 1, 1], [], []>, transpose_lhs_hint = false} : vector<256x16xf32>, vector<16x32xf32>, vector<256x32xf32> -> vector<256x32xf32>
    %add3A = arith.addf %dot_general3A_65, %dot_general3A_70 : vector<256x32xf32>
    %integer_pow3A = arith.mulf %add3A, %add3A : vector<256x32xf32>
    %integer_pow3A_71 = arith.mulf %add3A, %integer_pow3A : vector<256x32xf32>
    %mul3A_72 = arith.constant 4.471500e-02 : f32
    %mul3A_73 = vector.broadcast %mul3A_72 : f32 to vector<256x32xf32>
    %mul3A_74 = arith.mulf %mul3A_73, %integer_pow3A_71 : vector<256x32xf32>
    %add3A_75 = arith.addf %add3A, %mul3A_74 : vector<256x32xf32>
    %mul3A_76 = arith.constant 0.797884583 : f32
    %mul3A_77 = vector.broadcast %mul3A_76 : f32 to vector<256x32xf32>
    %mul3A_78 = arith.mulf %mul3A_77, %add3A_75 : vector<256x32xf32>
    %tanh3A = math.tanh %mul3A_78 : vector<256x32xf32>
    %add3A_79 = arith.constant 1.000000e+00 : f32
    %add3A_80 = vector.broadcast %add3A_79 : f32 to vector<256x32xf32>
    %add3A_81 = arith.addf %add3A_80, %tanh3A : vector<256x32xf32>
    %mul3A_82 = arith.constant 5.000000e-01 : f32
    %mul3A_83 = vector.broadcast %mul3A_82 : f32 to vector<256x32xf32>
    %mul3A_84 = arith.mulf %mul3A_83, %add3A_81 : vector<256x32xf32>
    %mul3A_85 = arith.mulf %add3A, %mul3A_84 : vector<256x32xf32>
    %get3A_86 = arith.constant 0 : index
    %get3A_87 = arith.constant 0 : index
    %get3A_88 = vector.load %arg6[%get3A_86, %get3A_87] : memref<16x32xf32, #tpu.memory_space<vmem>>, vector<16x32xf32>
    %dot_general3A_89 = arith.constant dense<0.000000e+00> : vector<256x32xf32>
    %dot_general3A_90 = tpu.matmul %convert_element_type3A_14, %get3A_88, %dot_general3A_89 {dimension_numbers = #tpu.dot_dimension_numbers<[1], [0], [0], [1], [0, 0, 1, 1], [], []>, transpose_lhs_hint = false} : vector<256x16xf32>, vector<16x32xf32>, vector<256x32xf32> -> vector<256x32xf32>
    %mul3A_91 = arith.mulf %mul3A_85, %dot_general3A_90 : vector<256x32xf32>
    %reduce_sum3A = arith.constant dense<0.000000e+00> : vector<256xf32>
    %reduce_sum3A_92 = vector.multi_reduction <add>, %mul3A_91, %reduce_sum3A [1] : vector<256x32xf32> to vector<256xf32>
    %broadcast_in_dim3A = vector.shape_cast %reduce_sum3A_92 : vector<256xf32> to vector<256x1xf32>
    %get3A_93 = arith.constant 0 : index
    %get3A_94 = arith.constant 0 : index
    %get3A_95 = vector.load %arg7[%get3A_93, %get3A_94] : memref<16x1xf32, #tpu.memory_space<vmem>>, vector<16x1xf32>
    %dot_general3A_96 = arith.constant dense<0.000000e+00> : vector<256x1xf32>
    %dot_general3A_97 = tpu.matmul %convert_element_type3A_14, %get3A_95, %dot_general3A_96 {dimension_numbers = #tpu.dot_dimension_numbers<[1], [0], [0], [1], [0, 0, 1, 1], [], []>, transpose_lhs_hint = false} : vector<256x16xf32>, vector<16x1xf32>, vector<256x1xf32> -> vector<256x1xf32>
    %add3A_98 = arith.addf %broadcast_in_dim3A, %dot_general3A_97 : vector<256x1xf32>
    %logistic3A = arith.negf %add3A_98 : vector<256x1xf32>
    %logistic3A_99 = math.exp %logistic3A : vector<256x1xf32>
    %logistic3A_100 = arith.constant 1.000000e+00 : f32
    %logistic3A_101 = vector.broadcast %logistic3A_100 : f32 to vector<256x1xf32>
    %logistic3A_102 = arith.addf %logistic3A_101, %logistic3A_99 : vector<256x1xf32>
    %logistic3A_103 = arith.divf %logistic3A_101, %logistic3A_102 : vector<256x1xf32>
    %get3A_104 = arith.constant 0 : index
    %get3A_105 = arith.constant 0 : index
    %get3A_106 = vector.load %arg8[%get3A_104, %get3A_105] : memref<16x1xf32, #tpu.memory_space<vmem>>, vector<16x1xf32>
    %logistic3A_107 = arith.negf %get3A_106 : vector<16x1xf32>
    %logistic3A_108 = math.exp %logistic3A_107 : vector<16x1xf32>
    %logistic3A_109 = arith.constant 1.000000e+00 : f32
    %logistic3A_110 = vector.broadcast %logistic3A_109 : f32 to vector<16x1xf32>
    %logistic3A_111 = arith.addf %logistic3A_110, %logistic3A_108 : vector<16x1xf32>
    %logistic3A_112 = arith.divf %logistic3A_110, %logistic3A_111 : vector<16x1xf32>
    %dot_general3A_113 = arith.constant dense<0.000000e+00> : vector<256x1xf32>
    %dot_general3A_114 = tpu.matmul %convert_element_type3A_14, %logistic3A_112, %dot_general3A_113 {dimension_numbers = #tpu.dot_dimension_numbers<[1], [0], [0], [1], [0, 0, 1, 1], [], []>, transpose_lhs_hint = false} : vector<256x16xf32>, vector<16x1xf32>, vector<256x1xf32> -> vector<256x1xf32>
    %mul3A_115 = arith.mulf %logistic3A_103, %dot_general3A_114 : vector<256x1xf32>
    %sub3A = arith.constant 1.000000e+00 : f32
    %sub3A_116 = vector.broadcast %sub3A : f32 to vector<256x1xf32>
    %sub3A_117 = arith.subf %sub3A_116, %dot_general3A_114 : vector<256x1xf32>
    %add3A_118 = arith.addf %mul3A_115, %sub3A_117 : vector<256x1xf32>
    %mul3A_119 = vector.broadcast %add3A_118 : vector<256x1xf32> to vector<256x2048xf32>
    %mul3A_120 = arith.mulf %concatenate3A, %mul3A_119 : vector<256x2048xf32>
    %get3A_121 = arith.constant 0 : index
    %get3A_122 = arith.constant 0 : index
    %get3A_123 = vector.load %arg9[%get3A_121, %get3A_122] : memref<2048x128xf32, #tpu.memory_space<vmem>>, vector<2048x128xf32>
    %dot_general3A_124 = arith.constant dense<0.000000e+00> : vector<256x128xf32>
    %dot_general3A_125 = tpu.matmul %mul3A_120, %get3A_123, %dot_general3A_124 {dimension_numbers = #tpu.dot_dimension_numbers<[1], [0], [0], [1], [0, 0, 1, 1], [], []>, transpose_lhs_hint = false} : vector<256x2048xf32>, vector<2048x128xf32>, vector<256x128xf32> -> vector<256x128xf32>
    %get3A_126 = arith.constant 0 : index
    %get3A_127 = arith.constant 0 : index
    %get3A_128 = vector.load %arg10[%get3A_126, %get3A_127] : memref<2048x128xf32, #tpu.memory_space<vmem>>, vector<2048x128xf32>
    %dot_general3A_129 = arith.constant dense<0.000000e+00> : vector<256x128xf32>
    %dot_general3A_130 = tpu.matmul %mul3A_120, %get3A_128, %dot_general3A_129 {dimension_numbers = #tpu.dot_dimension_numbers<[1], [0], [0], [1], [0, 0, 1, 1], [], []>, transpose_lhs_hint = false} : vector<256x2048xf32>, vector<2048x128xf32>, vector<256x128xf32> -> vector<256x128xf32>
    %get3A_131 = arith.constant 0 : index
    %get3A_132 = arith.constant 0 : index
    %get3A_133 = vector.load %arg11[%get3A_131, %get3A_132] : memref<2048x128xf32, #tpu.memory_space<vmem>>, vector<2048x128xf32>
    %dot_general3A_134 = arith.constant dense<0.000000e+00> : vector<256x128xf32>
    %dot_general3A_135 = tpu.matmul %mul3A_120, %get3A_133, %dot_general3A_134 {dimension_numbers = #tpu.dot_dimension_numbers<[1], [0], [0], [1], [0, 0, 1, 1], [], []>, transpose_lhs_hint = false} : vector<256x2048xf32>, vector<2048x128xf32>, vector<256x128xf32> -> vector<256x128xf32>
    %swap3A = arith.constant 0 : index
    %swap3A_136 = arith.constant 0 : index
    %swap3A_137 = arith.constant 0 : index
    %swap3A_138 = vector.load %arg15[%swap3A, %swap3A_136, %swap3A_137] : memref<1x256x128xf32, #tpu.memory_space<vmem>>, vector<1x256x128xf32>
    %swap3A_139 = vector.shape_cast %swap3A_138 : vector<1x256x128xf32> to vector<256x128xf32>
    %swap3A_140 = vector.shape_cast %dot_general3A_135 : vector<256x128xf32> to vector<1x256x128xf32>
    tpu.vector_store %arg15[%swap3A, %swap3A_136, %swap3A_137], %swap3A_140 {strides = array<i32>} : memref<1x256x128xf32, #tpu.memory_space<vmem>>, vector<1x256x128xf32>,
    %get3A_141 = arith.constant 0 : index
    %get3A_142 = arith.constant 0 : index
    %get3A_143 = arith.constant 0 : index
    %get3A_144 = vector.load %arg12[%get3A_141, %get3A_142, %get3A_143] : memref<5x16x128xf32, #tpu.memory_space<vmem>>, vector<1x16x128xf32>
    %get3A_145 = vector.shape_cast %get3A_144 : vector<1x16x128xf32> to vector<16x128xf32>
    %mul3A_146 = arith.mulf %get3A_145, %get3A_145 : vector<16x128xf32>
    %reduce_sum3A_147 = arith.constant dense<0.000000e+00> : vector<16xf32>
    %reduce_sum3A_148 = vector.multi_reduction <add>, %mul3A_146, %reduce_sum3A_147 [1] : vector<16x128xf32> to vector<16xf32>
    %broadcast_in_dim3A_149 = vector.shape_cast %reduce_sum3A_148 : vector<16xf32> to vector<16x1xf32>
    %sqrt3A = math.sqrt %broadcast_in_dim3A_149 : vector<16x1xf32>
    %add3A_150 = arith.constant 9.99999993E-9 : f32
    %add3A_151 = vector.broadcast %add3A_150 : f32 to vector<16x1xf32>
    %add3A_152 = arith.addf %sqrt3A, %add3A_151 : vector<16x1xf32>
    %div3A = vector.broadcast %add3A_152 : vector<16x1xf32> to vector<16x128xf32>
    %div3A_153 = arith.divf %get3A_145, %div3A : vector<16x128xf32>
    %dot_general3A_154 = arith.constant dense<0.000000e+00> : vector<256x128xf32>
    %dot_general3A_155 = tpu.matmul %convert_element_type3A_14, %div3A_153, %dot_general3A_154 {dimension_numbers = #tpu.dot_dimension_numbers<[1], [0], [0], [1], [0, 0, 1, 1], [], []>, transpose_lhs_hint = false} : vector<256x16xf32>, vector<16x128xf32>, vector<256x128xf32> -> vector<256x128xf32>
    %mul3A_156 = arith.mulf %dot_general3A_130, %dot_general3A_155 : vector<256x128xf32>
    %reduce_sum3A_157 = arith.constant dense<0.000000e+00> : vector<256xf32>
    %reduce_sum3A_158 = vector.multi_reduction <add>, %mul3A_156, %reduce_sum3A_157 [1] : vector<256x128xf32> to vector<256xf32>
    %broadcast_in_dim3A_159 = vector.shape_cast %reduce_sum3A_158 : vector<256xf32> to vector<256x1xf32>
    %mul3A_160 = arith.mulf %dot_general3A_125, %dot_general3A_155 : vector<256x128xf32>
    %reduce_sum3A_161 = arith.constant dense<0.000000e+00> : vector<256xf32>
    %reduce_sum3A_162 = vector.multi_reduction <add>, %mul3A_160, %reduce_sum3A_161 [1] : vector<256x128xf32> to vector<256xf32>
    %broadcast_in_dim3A_163 = vector.shape_cast %reduce_sum3A_162 : vector<256xf32> to vector<256x1xf32>
    %get3A_164 = arith.constant 1 : index
    %get3A_165 = arith.constant 0 : index
    %get3A_166 = arith.constant 0 : index
    %get3A_167 = vector.load %arg12[%get3A_164, %get3A_165, %get3A_166] : memref<5x16x128xf32, #tpu.memory_space<vmem>>, vector<1x16x128xf32>
    %get3A_168 = vector.shape_cast %get3A_167 : vector<1x16x128xf32> to vector<16x128xf32>
    %mul3A_169 = arith.mulf %get3A_168, %get3A_168 : vector<16x128xf32>
    %reduce_sum3A_170 = arith.constant dense<0.000000e+00> : vector<16xf32>
    %reduce_sum3A_171 = vector.multi_reduction <add>, %mul3A_169, %reduce_sum3A_170 [1] : vector<16x128xf32> to vector<16xf32>
    %broadcast_in_dim3A_172 = vector.shape_cast %reduce_sum3A_171 : vector<16xf32> to vector<16x1xf32>
    %sqrt3A_173 = math.sqrt %broadcast_in_dim3A_172 : vector<16x1xf32>
    %add3A_174 = arith.constant 9.99999993E-9 : f32
    %add3A_175 = vector.broadcast %add3A_174 : f32 to vector<16x1xf32>
    %add3A_176 = arith.addf %sqrt3A_173, %add3A_175 : vector<16x1xf32>
    %div3A_177 = vector.broadcast %add3A_176 : vector<16x1xf32> to vector<16x128xf32>
    %div3A_178 = arith.divf %get3A_168, %div3A_177 : vector<16x128xf32>
    %dot_general3A_179 = arith.constant dense<0.000000e+00> : vector<256x128xf32>
    %dot_general3A_180 = tpu.matmul %convert_element_type3A_14, %div3A_178, %dot_general3A_179 {dimension_numbers = #tpu.dot_dimension_numbers<[1], [0], [0], [1], [0, 0, 1, 1], [], []>, transpose_lhs_hint = false} : vector<256x16xf32>, vector<16x128xf32>, vector<256x128xf32> -> vector<256x128xf32>
    %mul3A_181 = arith.mulf %dot_general3A_130, %dot_general3A_180 : vector<256x128xf32>
    %reduce_sum3A_182 = arith.constant dense<0.000000e+00> : vector<256xf32>
    %reduce_sum3A_183 = vector.multi_reduction <add>, %mul3A_181, %reduce_sum3A_182 [1] : vector<256x128xf32> to vector<256xf32>
    %broadcast_in_dim3A_184 = vector.shape_cast %reduce_sum3A_183 : vector<256xf32> to vector<256x1xf32>
    %mul3A_185 = arith.mulf %dot_general3A_125, %dot_general3A_180 : vector<256x128xf32>
    %reduce_sum3A_186 = arith.constant dense<0.000000e+00> : vector<256xf32>
    %reduce_sum3A_187 = vector.multi_reduction <add>, %mul3A_185, %reduce_sum3A_186 [1] : vector<256x128xf32> to vector<256xf32>
    %broadcast_in_dim3A_188 = vector.shape_cast %reduce_sum3A_187 : vector<256xf32> to vector<256x1xf32>
    %get3A_189 = arith.constant 2 : index
    %get3A_190 = arith.constant 0 : index
    %get3A_191 = arith.constant 0 : index
    %get3A_192 = vector.load %arg12[%get3A_189, %get3A_190, %get3A_191] : memref<5x16x128xf32, #tpu.memory_space<vmem>>, vector<1x16x128xf32>
    %get3A_193 = vector.shape_cast %get3A_192 : vector<1x16x128xf32> to vector<16x128xf32>
    %mul3A_194 = arith.mulf %get3A_193, %get3A_193 : vector<16x128xf32>
    %reduce_sum3A_195 = arith.constant dense<0.000000e+00> : vector<16xf32>
    %reduce_sum3A_196 = vector.multi_reduction <add>, %mul3A_194, %reduce_sum3A_195 [1] : vector<16x128xf32> to vector<16xf32>
    %broadcast_in_dim3A_197 = vector.shape_cast %reduce_sum3A_196 : vector<16xf32> to vector<16x1xf32>
    %sqrt3A_198 = math.sqrt %broadcast_in_dim3A_197 : vector<16x1xf32>
    %add3A_199 = arith.constant 9.99999993E-9 : f32
    %add3A_200 = vector.broadcast %add3A_199 : f32 to vector<16x1xf32>
    %add3A_201 = arith.addf %sqrt3A_198, %add3A_200 : vector<16x1xf32>
    %div3A_202 = vector.broadcast %add3A_201 : vector<16x1xf32> to vector<16x128xf32>
    %div3A_203 = arith.divf %get3A_193, %div3A_202 : vector<16x128xf32>
    %dot_general3A_204 = arith.constant dense<0.000000e+00> : vector<256x128xf32>
    %dot_general3A_205 = tpu.matmul %convert_element_type3A_14, %div3A_203, %dot_general3A_204 {dimension_numbers = #tpu.dot_dimension_numbers<[1], [0], [0], [1], [0, 0, 1, 1], [], []>, transpose_lhs_hint = false} : vector<256x16xf32>, vector<16x128xf32>, vector<256x128xf32> -> vector<256x128xf32>
    %mul3A_206 = arith.mulf %dot_general3A_130, %dot_general3A_205 : vector<256x128xf32>
    %reduce_sum3A_207 = arith.constant dense<0.000000e+00> : vector<256xf32>
    %reduce_sum3A_208 = vector.multi_reduction <add>, %mul3A_206, %reduce_sum3A_207 [1] : vector<256x128xf32> to vector<256xf32>
    %broadcast_in_dim3A_209 = vector.shape_cast %reduce_sum3A_208 : vector<256xf32> to vector<256x1xf32>
    %mul3A_210 = arith.mulf %dot_general3A_125, %dot_general3A_205 : vector<256x128xf32>
    %reduce_sum3A_211 = arith.constant dense<0.000000e+00> : vector<256xf32>
    %reduce_sum3A_212 = vector.multi_reduction <add>, %mul3A_210, %reduce_sum3A_211 [1] : vector<256x128xf32> to vector<256xf32>
    %broadcast_in_dim3A_213 = vector.shape_cast %reduce_sum3A_212 : vector<256xf32> to vector<256x1xf32>
    %get3A_214 = arith.constant 3 : index
    %get3A_215 = arith.constant 0 : index
    %get3A_216 = arith.constant 0 : index
    %get3A_217 = vector.load %arg12[%get3A_214, %get3A_215, %get3A_216] : memref<5x16x128xf32, #tpu.memory_space<vmem>>, vector<1x16x128xf32>
    %get3A_218 = vector.shape_cast %get3A_217 : vector<1x16x128xf32> to vector<16x128xf32>
    %mul3A_219 = arith.mulf %get3A_218, %get3A_218 : vector<16x128xf32>
    %reduce_sum3A_220 = arith.constant dense<0.000000e+00> : vector<16xf32>
    %reduce_sum3A_221 = vector.multi_reduction <add>, %mul3A_219, %reduce_sum3A_220 [1] : vector<16x128xf32> to vector<16xf32>
    %broadcast_in_dim3A_222 = vector.shape_cast %reduce_sum3A_221 : vector<16xf32> to vector<16x1xf32>
    %sqrt3A_223 = math.sqrt %broadcast_in_dim3A_222 : vector<16x1xf32>
    %add3A_224 = arith.constant 9.99999993E-9 : f32
    %add3A_225 = vector.broadcast %add3A_224 : f32 to vector<16x1xf32>
    %add3A_226 = arith.addf %sqrt3A_223, %add3A_225 : vector<16x1xf32>
    %div3A_227 = vector.broadcast %add3A_226 : vector<16x1xf32> to vector<16x128xf32>
    %div3A_228 = arith.divf %get3A_218, %div3A_227 : vector<16x128xf32>
    %dot_general3A_229 = arith.constant dense<0.000000e+00> : vector<256x128xf32>
    %dot_general3A_230 = tpu.matmul %convert_element_type3A_14, %div3A_228, %dot_general3A_229 {dimension_numbers = #tpu.dot_dimension_numbers<[1], [0], [0], [1], [0, 0, 1, 1], [], []>, transpose_lhs_hint = false} : vector<256x16xf32>, vector<16x128xf32>, vector<256x128xf32> -> vector<256x128xf32>
    %mul3A_231 = arith.mulf %dot_general3A_130, %dot_general3A_230 : vector<256x128xf32>
    %reduce_sum3A_232 = arith.constant dense<0.000000e+00> : vector<256xf32>
    %reduce_sum3A_233 = vector.multi_reduction <add>, %mul3A_231, %reduce_sum3A_232 [1] : vector<256x128xf32> to vector<256xf32>
    %broadcast_in_dim3A_234 = vector.shape_cast %reduce_sum3A_233 : vector<256xf32> to vector<256x1xf32>
    %mul3A_235 = arith.mulf %dot_general3A_125, %dot_general3A_230 : vector<256x128xf32>
    %reduce_sum3A_236 = arith.constant dense<0.000000e+00> : vector<256xf32>
    %reduce_sum3A_237 = vector.multi_reduction <add>, %mul3A_235, %reduce_sum3A_236 [1] : vector<256x128xf32> to vector<256xf32>
    %broadcast_in_dim3A_238 = vector.shape_cast %reduce_sum3A_237 : vector<256xf32> to vector<256x1xf32>
    %get3A_239 = arith.constant 4 : index
    %get3A_240 = arith.constant 0 : index
    %get3A_241 = arith.constant 0 : index
    %get3A_242 = vector.load %arg12[%get3A_239, %get3A_240, %get3A_241] : memref<5x16x128xf32, #tpu.memory_space<vmem>>, vector<1x16x128xf32>
    %get3A_243 = vector.shape_cast %get3A_242 : vector<1x16x128xf32> to vector<16x128xf32>
    %mul3A_244 = arith.mulf %get3A_243, %get3A_243 : vector<16x128xf32>
    %reduce_sum3A_245 = arith.constant dense<0.000000e+00> : vector<16xf32>
    %reduce_sum3A_246 = vector.multi_reduction <add>, %mul3A_244, %reduce_sum3A_245 [1] : vector<16x128xf32> to vector<16xf32>
    %broadcast_in_dim3A_247 = vector.shape_cast %reduce_sum3A_246 : vector<16xf32> to vector<16x1xf32>
    %sqrt3A_248 = math.sqrt %broadcast_in_dim3A_247 : vector<16x1xf32>
    %add3A_249 = arith.constant 9.99999993E-9 : f32
    %add3A_250 = vector.broadcast %add3A_249 : f32 to vector<16x1xf32>
    %add3A_251 = arith.addf %sqrt3A_248, %add3A_250 : vector<16x1xf32>
    %div3A_252 = vector.broadcast %add3A_251 : vector<16x1xf32> to vector<16x128xf32>
    %div3A_253 = arith.divf %get3A_243, %div3A_252 : vector<16x128xf32>
    %dot_general3A_254 = arith.constant dense<0.000000e+00> : vector<256x128xf32>
    %dot_general3A_255 = tpu.matmul %convert_element_type3A_14, %div3A_253, %dot_general3A_254 {dimension_numbers = #tpu.dot_dimension_numbers<[1], [0], [0], [1], [0, 0, 1, 1], [], []>, transpose_lhs_hint = false} : vector<256x16xf32>, vector<16x128xf32>, vector<256x128xf32> -> vector<256x128xf32>
    %mul3A_256 = arith.mulf %dot_general3A_130, %dot_general3A_255 : vector<256x128xf32>
    %reduce_sum3A_257 = arith.constant dense<0.000000e+00> : vector<256xf32>
    %reduce_sum3A_258 = vector.multi_reduction <add>, %mul3A_256, %reduce_sum3A_257 [1] : vector<256x128xf32> to vector<256xf32>
    %broadcast_in_dim3A_259 = vector.shape_cast %reduce_sum3A_258 : vector<256xf32> to vector<256x1xf32>
    %mul3A_260 = arith.mulf %dot_general3A_125, %dot_general3A_255 : vector<256x128xf32>
    %reduce_sum3A_261 = arith.constant dense<0.000000e+00> : vector<256xf32>
    %reduce_sum3A_262 = vector.multi_reduction <add>, %mul3A_260, %reduce_sum3A_261 [1] : vector<256x128xf32> to vector<256xf32>
    %broadcast_in_dim3A_263 = vector.shape_cast %reduce_sum3A_262 : vector<256xf32> to vector<256x1xf32>
    %concatenate3A_264 = tpu.concatenate %broadcast_in_dim3A_159, %broadcast_in_dim3A_184, %broadcast_in_dim3A_209, %broadcast_in_dim3A_234, %broadcast_in_dim3A_259 in 1 : vector<256x1xf32>, vector<256x1xf32>, vector<256x1xf32>, vector<256x1xf32>, vector<256x1xf32> -> vector<256x5xf32>
    %swap3A_265 = arith.constant 0 : index
    %swap3A_266 = arith.constant 0 : index
    %swap3A_267 = arith.constant 0 : index
    %swap3A_268 = vector.load %arg14[%swap3A_265, %swap3A_266, %swap3A_267] : memref<1x256x5xf32, #tpu.memory_space<vmem>>, vector<1x256x5xf32>
    %swap3A_269 = vector.shape_cast %swap3A_268 : vector<1x256x5xf32> to vector<256x5xf32>
    %swap3A_270 = vector.shape_cast %concatenate3A_264 : vector<256x5xf32> to vector<1x256x5xf32>
    tpu.vector_store %arg14[%swap3A_265, %swap3A_266, %swap3A_267], %swap3A_270 {strides = array<i32>} : memref<1x256x5xf32, #tpu.memory_space<vmem>>, vector<1x256x5xf32>,
    %concatenate3A_271 = tpu.concatenate %broadcast_in_dim3A_163, %broadcast_in_dim3A_188, %broadcast_in_dim3A_213, %broadcast_in_dim3A_238, %broadcast_in_dim3A_263 in 1 : vector<256x1xf32>, vector<256x1xf32>, vector<256x1xf32>, vector<256x1xf32>, vector<256x1xf32> -> vector<256x5xf32>
    %swap3A_272 = arith.constant 0 : index
    %swap3A_273 = arith.constant 0 : index
    %swap3A_274 = arith.constant 0 : index
    %swap3A_275 = vector.load %arg13[%swap3A_272, %swap3A_273, %swap3A_274] : memref<1x256x5xf32, #tpu.memory_space<vmem>>, vector<1x256x5xf32>
    %swap3A_276 = vector.shape_cast %swap3A_275 : vector<1x256x5xf32> to vector<256x5xf32>
    %swap3A_277 = vector.shape_cast %concatenate3A_271 : vector<256x5xf32> to vector<1x256x5xf32>
    tpu.vector_store %arg13[%swap3A_272, %swap3A_273, %swap3A_274], %swap3A_277 {strides = array<i32>} : memref<1x256x5xf32, #tpu.memory_space<vmem>>, vector<1x256x5xf32>,
    return
  }
  func.func @transform_0(%arg0: i32, %arg1: i32) -> (i32, i32, i32) {
    %c0_i32 = arith.constant 0 : i32
    %c0_i32_0 = arith.constant 0 : i32
    return %arg0, %arg1, %c0_i32 : i32, i32, i32
  }
  func.func @transform_1(%arg0: i32, %arg1: i32) -> (i32, i32) {
    %c0_i32 = arith.constant 0 : i32
    %c0_i32_0 = arith.constant 0 : i32
    return %arg1, %c0_i32 : i32, i32
  }
  func.func @transform_2(%arg0: i32, %arg1: i32) -> (i32, i32) {
    %c0_i32 = arith.constant 0 : i32
    %c0_i32_0 = arith.constant 0 : i32
    %c0_i32_1 = arith.constant 0 : i32
    return %c0_i32, %c0_i32_0 : i32, i32
  }
  func.func @transform_3(%arg0: i32, %arg1: i32) -> (i32, i32) {
    %c0_i32 = arith.constant 0 : i32
    %c0_i32_0 = arith.constant 0 : i32
    %c0_i32_1 = arith.constant 0 : i32
    return %c0_i32, %c0_i32_0 : i32, i32
  }
  func.func @transform_4(%arg0: i32, %arg1: i32) -> (i32, i32) {
    %c0_i32 = arith.constant 0 : i32
    %c0_i32_0 = arith.constant 0 : i32
    %c0_i32_1 = arith.constant 0 : i32
    return %c0_i32, %c0_i32_0 : i32, i32
  }
  func.func @transform_5(%arg0: i32, %arg1: i32) -> (i32, i32) {
    %c0_i32 = arith.constant 0 : i32
    %c0_i32_0 = arith.constant 0 : i32
    %c0_i32_1 = arith.constant 0 : i32
    return %c0_i32, %c0_i32_0 : i32, i32
  }
  func.func @transform_6(%arg0: i32, %arg1: i32) -> (i32, i32) {
    %c0_i32 = arith.constant 0 : i32
    %c0_i32_0 = arith.constant 0 : i32
    %c0_i32_1 = arith.constant 0 : i32
    return %c0_i32, %c0_i32_0 : i32, i32
  }
  func.func @transform_7(%arg0: i32, %arg1: i32) -> (i32, i32) {
    %c0_i32 = arith.constant 0 : i32
    %c0_i32_0 = arith.constant 0 : i32
    %c0_i32_1 = arith.constant 0 : i32
    return %c0_i32, %c0_i32_0 : i32, i32
  }
  func.func @transform_8(%arg0: i32, %arg1: i32) -> (i32, i32) {
    %c0_i32 = arith.constant 0 : i32
    %c0_i32_0 = arith.constant 0 : i32
    %c0_i32_1 = arith.constant 0 : i32
    return %c0_i32, %c0_i32_0 : i32, i32
  }
  func.func @transform_9(%arg0: i32, %arg1: i32) -> (i32, i32) {
    %c0_i32 = arith.constant 0 : i32
    %c0_i32_0 = arith.constant 0 : i32
    %c0_i32_1 = arith.constant 0 : i32
    return %c0_i32, %c0_i32_0 : i32, i32
  }
  func.func @transform_10(%arg0: i32, %arg1: i32) -> (i32, i32, i32) {
    %c0_i32 = arith.constant 0 : i32
    %c0_i32_0 = arith.constant 0 : i32
    %c0_i32_1 = arith.constant 0 : i32
    %c0_i32_2 = arith.constant 0 : i32
    return %c0_i32, %c0_i32_0, %c0_i32_1 : i32, i32, i32
  }
  func.func @transform_11(%arg0: i32, %arg1: i32) -> (i32, i32, i32) {
    %c0_i32 = arith.constant 0 : i32
    %c0_i32_0 = arith.constant 0 : i32
    return %arg0, %arg1, %c0_i32 : i32, i32, i32
  }
  func.func @transform_12(%arg0: i32, %arg1: i32) -> (i32, i32, i32) {
    %c0_i32 = arith.constant 0 : i32
    %c0_i32_0 = arith.constant 0 : i32
    return %arg0, %arg1, %c0_i32 : i32, i32, i32
  }
  func.func @transform_13(%arg0: i32, %arg1: i32) -> (i32, i32, i32) {
    %c0_i32 = arith.constant 0 : i32
    %c0_i32_0 = arith.constant 0 : i32
    return %arg0, %arg1, %c0_i32 : i32, i32, i32
  }
}

module attributes {stable_mosaic.version = 14 : i64} {
  func.func @_stage2_body(%arg0: i32, %arg1: memref<1x2048x5xf32, #tpu.memory_space<vmem>>, %arg2: memref<1x2048x5xf32, #tpu.memory_space<vmem>>, %arg3: memref<1x2048x128xf32, #tpu.memory_space<vmem>>, %arg4: memref<1x5xf32, #tpu.memory_space<vmem>>, %arg5: memref<1x1xf32, #tpu.memory_space<vmem>>, %arg6: memref<1x2048x128xf32, #tpu.memory_space<vmem>>) attributes {dimension_semantics = [#tpu.dimension_semantics<parallel>], iteration_bounds = array<i64: 4>, scalar_prefetch = 0 : i64, scratch_operands = 0 : i64, tpu.core_type = #tpu.core_type<tc>, window_params = [{transform_indices = @transform_0, window_bounds = array<i64: 1, 2048, 5>}, {transform_indices = @transform_1, window_bounds = array<i64: 1, 2048, 5>}, {transform_indices = @transform_2, window_bounds = array<i64: 1, 2048, 128>}, {pipeline_mode = #tpu.pipeline_mode<synchronous>, transform_indices = @transform_3, window_bounds = array<i64: 1, 5>}, {pipeline_mode = #tpu.pipeline_mode<synchronous>, transform_indices = @transform_4, window_bounds = array<i64: 1, 1>}, {transform_indices = @transform_5, window_bounds = array<i64: 1, 2048, 128>}]} {
    %get3A = arith.constant 0 : index
    %get3A_0 = arith.constant 0 : index
    %get3A_1 = arith.constant 0 : index
    %get3A_2 = vector.load %arg1[%get3A, %get3A_0, %get3A_1] : memref<1x2048x5xf32, #tpu.memory_space<vmem>>, vector<1x2048x5xf32>
    %get3A_3 = vector.shape_cast %get3A_2 : vector<1x2048x5xf32> to vector<2048x5xf32>
    %get3A_4 = arith.constant 0 : index
    %get3A_5 = arith.constant 0 : index
    %get3A_6 = vector.load %arg5[%get3A_4, %get3A_5] : memref<1x1xf32, #tpu.memory_space<vmem>>, vector<1x1xf32>
    %get3A_7 = vector.extract %get3A_6[0, 0] : f32 from vector<1x1xf32>
    %div3A = vector.broadcast %get3A_7 : f32 to vector<2048x5xf32>
    %div3A_8 = arith.divf %get3A_3, %div3A : vector<2048x5xf32>
    %reduce_max3A = arith.constant dense<0xFF800000> : vector<5xf32>
    %reduce_max3A_9 = vector.multi_reduction <maximumf>, %div3A_8, %reduce_max3A [0] : vector<2048x5xf32> to vector<5xf32>
    %broadcast_in_dim3A = vector.shape_cast %reduce_max3A_9 : vector<5xf32> to vector<1x5xf32>
    %sub3A = vector.broadcast %broadcast_in_dim3A : vector<1x5xf32> to vector<2048x5xf32>
    %sub3A_10 = arith.subf %div3A_8, %sub3A : vector<2048x5xf32>
    %exp3A = math.exp %sub3A_10 : vector<2048x5xf32>
    %reduce_sum3A = arith.constant dense<0.000000e+00> : vector<5xf32>
    %reduce_sum3A_11 = vector.multi_reduction <add>, %exp3A, %reduce_sum3A [0] : vector<2048x5xf32> to vector<5xf32>
    %broadcast_in_dim3A_12 = vector.shape_cast %reduce_sum3A_11 : vector<5xf32> to vector<1x5xf32>
    %div3A_13 = vector.broadcast %broadcast_in_dim3A_12 : vector<1x5xf32> to vector<2048x5xf32>
    %div3A_14 = arith.divf %exp3A, %div3A_13 : vector<2048x5xf32>
    %get3A_15 = arith.constant 0 : index
    %get3A_16 = arith.constant 0 : index
    %get3A_17 = arith.constant 0 : index
    %get3A_18 = vector.load %arg3[%get3A_15, %get3A_16, %get3A_17] : memref<1x2048x128xf32, #tpu.memory_space<vmem>>, vector<1x2048x128xf32>
    %get3A_19 = vector.shape_cast %get3A_18 : vector<1x2048x128xf32> to vector<2048x128xf32>
    %dot_general3A = arith.constant dense<0.000000e+00> : vector<5x128xf32>
    %dot_general3A_20 = tpu.matmul %div3A_14, %get3A_19, %dot_general3A {dimension_numbers = #tpu.dot_dimension_numbers<[0], [0], [1], [1], [0, 1, 1, 1], [], []>, transpose_lhs_hint = false} : vector<2048x5xf32>, vector<2048x128xf32>, vector<5x128xf32> -> vector<5x128xf32>
    %get3A_21 = arith.constant 0 : index
    %get3A_22 = arith.constant 0 : index
    %get3A_23 = arith.constant 0 : index
    %get3A_24 = vector.load %arg2[%get3A_21, %get3A_22, %get3A_23] : memref<1x2048x5xf32, #tpu.memory_space<vmem>>, vector<1x2048x5xf32>
    %get3A_25 = vector.shape_cast %get3A_24 : vector<1x2048x5xf32> to vector<2048x5xf32>
    %get3A_26 = arith.constant 0 : index
    %get3A_27 = arith.constant 0 : index
    %get3A_28 = vector.load %arg4[%get3A_26, %get3A_27] : memref<1x5xf32, #tpu.memory_space<vmem>>, vector<1x5xf32>
    %mul3A = vector.broadcast %get3A_28 : vector<1x5xf32> to vector<2048x5xf32>
    %mul3A_29 = arith.mulf %get3A_25, %mul3A : vector<2048x5xf32>
    %dot_general3A_30 = arith.constant dense<0.000000e+00> : vector<2048x128xf32>
    %dot_general3A_31 = tpu.matmul %mul3A_29, %dot_general3A_20, %dot_general3A_30 {dimension_numbers = #tpu.dot_dimension_numbers<[1], [0], [0], [1], [0, 0, 1, 1], [], []>, transpose_lhs_hint = false} : vector<2048x5xf32>, vector<5x128xf32>, vector<2048x128xf32> -> vector<2048x128xf32>
    %swap3A = arith.constant 0 : index
    %swap3A_32 = arith.constant 0 : index
    %swap3A_33 = arith.constant 0 : index
    %swap3A_34 = vector.load %arg6[%swap3A, %swap3A_32, %swap3A_33] : memref<1x2048x128xf32, #tpu.memory_space<vmem>>, vector<1x2048x128xf32>
    %swap3A_35 = vector.shape_cast %swap3A_34 : vector<1x2048x128xf32> to vector<2048x128xf32>
    %swap3A_36 = vector.shape_cast %dot_general3A_31 : vector<2048x128xf32> to vector<1x2048x128xf32>
    tpu.vector_store %arg6[%swap3A, %swap3A_32, %swap3A_33], %swap3A_36 {strides = array<i32>} : memref<1x2048x128xf32, #tpu.memory_space<vmem>>, vector<1x2048x128xf32>,
    return
  }
  func.func @transform_0(%arg0: i32) -> (i32, i32, i32) {
    %c0_i32 = arith.constant 0 : i32
    %c0_i32_0 = arith.constant 0 : i32
    %c0_i32_1 = arith.constant 0 : i32
    return %arg0, %c0_i32, %c0_i32_0 : i32, i32, i32
  }
  func.func @transform_1(%arg0: i32) -> (i32, i32, i32) {
    %c0_i32 = arith.constant 0 : i32
    %c0_i32_0 = arith.constant 0 : i32
    %c0_i32_1 = arith.constant 0 : i32
    return %arg0, %c0_i32, %c0_i32_0 : i32, i32, i32
  }
  func.func @transform_2(%arg0: i32) -> (i32, i32, i32) {
    %c0_i32 = arith.constant 0 : i32
    %c0_i32_0 = arith.constant 0 : i32
    %c0_i32_1 = arith.constant 0 : i32
    return %arg0, %c0_i32, %c0_i32_0 : i32, i32, i32
  }
  func.func @transform_3(%arg0: i32) -> (i32, i32) {
    %c0_i32 = arith.constant 0 : i32
    %c0_i32_0 = arith.constant 0 : i32
    %c0_i32_1 = arith.constant 0 : i32
    return %c0_i32, %c0_i32_0 : i32, i32
  }
  func.func @transform_4(%arg0: i32) -> (i32, i32) {
    %c0_i32 = arith.constant 0 : i32
    %c0_i32_0 = arith.constant 0 : i32
    %c0_i32_1 = arith.constant 0 : i32
    return %c0_i32, %c0_i32_0 : i32, i32
  }
  func.func @transform_5(%arg0: i32) -> (i32, i32, i32) {
    %c0_i32 = arith.constant 0 : i32
    %c0_i32_0 = arith.constant 0 : i32
    %c0_i32_1 = arith.constant 0 : i32
    return %arg0, %c0_i32, %c0_i32_0 : i32, i32, i32
  }
}

</mosaic_0001>

<sc_bundles>
// kernel: kernel.5.cloned.1.call-start
scs
__scs_entry_jumppad:
0x0: {  	(pc) =	sbr.rel $0x88, $3  }
0x1: {  	(tag) =	ssettag $0x0;
	lr =	simm.s32 $0x1  }
0x2: {  	[smem:$0x3F94] =	sst lr;
	_ =	strace $0xD0000000  }
0x3: {  	_ = 	snop  }
0x4: {  	_ = 	snop  }
0x5: {  	_ = 	snop  }
0x6: {  	_ = 	snop  }
0x7: {  	_ = 	snop  }
__scs_overlays_trampoline_lowered:
0x8: {  	[smem:$0x3FA3] =	sst s0  }
0x9: {  	[smem:$0x3FA4] =	sst s1  }
0xa: {  	[smem:$0x3FA5] =	sst s2  }
0xb: {  	[smem:$0x3FA6] =	sst s3  }
0xc: {  	[smem:$0x3FA7] =	sst s4  }
0xd: {  	[smem:$0x3FA8] =	sst s5  }
0xe: {  	[smem:$0x3FA9] =	sst s6  }
0xf: {  	[smem:$0x3FAA] =	sst s7  }
0x10: {  	[smem:$0x3FAB] =	sst s8  }
0x11: {  	[smem:$0x3FAC] =	sst s9;
	s0 =	simm.s32 @!p0 $0x0  }
0x12: {  	s1 =	sld [smem:$0x3F92];
	s0 =	simm.s32 @p0 $0x1  }
0x13: {  	[smem:$0x3FAD] =	sst s0;
	s0 =	simm.s32 @!p1 $0x0  }
0x14: {  	s2 =	sld [smem:$0x3F91];
	s0 =	simm.s32 @p1 $0x1  }
0x15: {  	[smem:$0x3FAE] =	sst s0;
	s0 =	simm.s32 @!p2 $0x0  }
0x16: {  	s3 =	sld [smem:$0x3FDB];
	s0 =	simm.s32 @p2 $0x1  }
0x17: {  	s4 =	simm.s32 $0x1BF5;
	[smem:$0x3FB0] =	sst s0  }
0x18: {  	s0 =	sld [smem:$0x3F93];
	_ =	swait.ge [sflag:s4], $0x0  }
0x19: {  	s7 =	sld [smem:$0x3F94]  }
0x1a: {  	s8 =	sadd.s32 $0xFFFFE003, lr  }
0x1b: {  	s9 =	sadd.s32 $0xFFFFFEF7, lr;
	s5 =	simm.s32 $0xFFFFFFFF;
	p2 =	slt.u32 s8, $0xFFFFF086  }
0x1c: {  	p1 =	slt.u32 s9, $0xF7A;
	s5 =	simm.s32 @!p2 $0x0  }
0x1d: {  	s5 =	simm.s32 @p1 $0x1;
	p0 =	seq.s32 s7, s2  }
0x1e: {  	s7 =	smul.u32 @!p0 $0xF7A, s2;
	p2 =	seq.s32 @!p0 s5, $0x0  }
0x1f: {  	s9 =	smul.u32 $0xF7A, s1;
	s8 =	simm.s32 @!p0 $0x1BF5;
	p2 =	por !p2, p0  }
0x20: {  	[sflag:s8] =	ssyncset.s32 @!p0 $0xFFFFF086;
	s6 =	sadd.s32 @!p0 s3, s7;
	s7 =	simm.s32 @!p0 $0x108  }
0x21: {  	s3 =	sadd.s32 s3, s9;
	s6 =	sadd.s32 @!p0 $0x88, s6;
	s7 =	simm.s32 @p2 $0x1082  }
0x22: {  	[simem:s7], [sflag:s8] =	dma.local @!p0 [hbm:s6], $0xF7A  }
0x23: {  	s9 =	sor.u32 $0xD0000000, s2;
	s6 =	simm.s32 $0x108;
	_ =	swait.ge @!p0 [sflag:s8], $0x0  }
0x24: {  	s3 =	sadd.s32 $0x88, s3;
	s6 =	simm.s32 @!p1 $0x1082;
	[sflag:s4] =	ssyncset.s32 $0xFFFFF086  }
0x25: {  	[simem:s6], [sflag:s4] =	dma.local [hbm:s3], $0xF7A  }
0x26: {  	[smem:$0x3F94] =	sst s1;
	(tag) =	ssettag s2;
	_ =	strace s9  }
0x27: {  	s1 =	sld [smem:$0x3FA4]  }
0x28: {  	s2 =	sld [smem:$0x3FA5]  }
0x29: {  	s4 =	sld [smem:$0x3FA7]  }
0x2a: {  	p0 =	seq.s32 s5, $0x0;
	s5 =	sld [smem:$0x3FA8]  }
0x2b: {  	s6 =	sld [smem:$0x3FA9]  }
0x2c: {  	s7 =	sld [smem:$0x3FAA]  }
0x2d: {  	s3 =	simm.s32 $0x108;
	s8 =	sld [smem:$0x3FAB]  }
0x2e: {  	s3 =	simm.s32 @!p0 $0x1082;
	s9 =	sld [smem:$0x3FAC]  }
0x2f: {  	lr =	sadd.s32 s0, s3;
	s0 =	sld [smem:$0x3FA3]  }
0x30: {  	s3 =	sld [smem:$0x3FA6]  }
0x31: {  	[smem:$0x3FAF] =	sst s10  }
0x32: {  	s10 =	sld [smem:$0x3FAD];
	_ =	sdelay $0x3  }
0x33: {  	p0 =	seq.s32 s10, $0x1;
	s10 =	sld [smem:$0x3FAF];
	_ =	sdelay $0x3  }
0x34: {  	[smem:$0x3FAF] =	sst s10  }
0x35: {  	s10 =	sld [smem:$0x3FAE];
	_ =	sdelay $0x3  }
0x36: {  	p1 =	seq.s32 s10, $0x1;
	s10 =	sld [smem:$0x3FAF];
	_ =	sdelay $0x3  }
0x37: {  	[smem:$0x3FAF] =	sst s10  }
0x38: {  	s10 =	sld [smem:$0x3FB0]  }
0x39: {  	_ = 	snop;
	(pc) =	sbr.ind lr, $3  }
0x3a: {  	_ = 	snop  }
0x3b: {  	_ = 	snop  }
0x3c: {  	p2 =	seq.s32 s10, $0x1;
	s10 =	sld [smem:$0x3FAF]  }
0x3d: {  	_ =	shalt  }
0x3e: {  	_ =	shalt  }
0x3f: {  	_ =	shalt  }
0x40: {  	_ =	shalt  }
0x41: {  	_ =	shalt  }
0x42: {  	_ =	shalt  }
0x43: {  	_ =	shalt  }
0x44: {  	_ =	shalt  }
0x45: {  	_ =	shalt  }
0x46: {  	_ =	shalt  }
0x47: {  	_ =	shalt  }
0x48: {  	_ =	shalt  }
0x49: {  	_ =	shalt  }
0x4a: {  	_ =	shalt  }
0x4b: {  	_ =	shalt  }
0x4c: {  	_ =	shalt  }
0x4d: {  	_ =	shalt  }
0x4e: {  	_ =	shalt  }
0x4f: {  	_ =	shalt  }
0x50: {  	_ =	shalt  }
0x51: {  	_ =	shalt  }
0x52: {  	_ =	shalt  }
0x53: {  	_ =	shalt  }
0x54: {  	_ =	shalt  }
0x55: {  	_ =	shalt  }
0x56: {  	_ =	shalt  }
0x57: {  	_ =	shalt  }
0x58: {  	_ =	shalt  }
0x59: {  	_ =	shalt  }
0x5a: {  	_ =	shalt  }
0x5b: {  	_ =	shalt  }
0x5c: {  	_ =	shalt  }
0x5d: {  	_ =	shalt  }
0x5e: {  	_ =	shalt  }
0x5f: {  	_ =	shalt  }
0x60: {  	_ =	shalt  }
0x61: {  	_ =	shalt  }
0x62: {  	_ =	shalt  }
0x63: {  	_ =	shalt  }
0x64: {  	_ =	shalt  }
0x65: {  	_ =	shalt  }
0x66: {  	_ =	shalt  }
0x67: {  	_ =	shalt  }
0x68: {  	_ =	shalt  }
0x69: {  	_ =	shalt  }
0x6a: {  	_ =	shalt  }
0x6b: {  	_ =	shalt  }
0x6c: {  	_ =	shalt  }
0x6d: {  	_ =	shalt  }
0x6e: {  	_ =	shalt  }
0x6f: {  	_ =	shalt  }
0x70: {  	_ =	shalt  }
0x71: {  	_ =	shalt  }
0x72: {  	_ =	shalt  }
0x73: {  	_ =	shalt  }
0x74: {  	_ =	shalt  }
0x75: {  	_ =	shalt  }
0x76: {  	_ =	shalt  }
0x77: {  	_ =	shalt  }
0x78: {  	_ =	shalt  }
0x79: {  	_ =	shalt  }
0x7a: {  	_ =	shalt  }
0x7b: {  	_ =	shalt  }
0x7c: {  	_ =	shalt  }
0x7d: {  	_ =	shalt  }
0x7e: {  	_ =	shalt  }
0x7f: {  	_ =	shalt  }
0x80: {  	_ =	shalt  }
0x81: {  	_ =	shalt  }
0x82: {  	_ =	shalt  }
0x83: {  	_ =	shalt  }
0x84: {  	_ =	shalt  }
0x85: {  	_ =	shalt  }
0x86: {  	_ =	shalt  }
0x87: {  	_ =	shalt  }
.Lfunc_end0:
.L_simem_size_0:
called_computation_lowered:
.L_overlay_start_0:
0x88: {  	s2 =	sld [smem:$0x3FD9]  }
0x89: {  	s3 =	sld [smem:$0x3FFE];
	_ =	sdelay $0x1  }
0x8a: {  	s1 =	srdreg.scid  }
0x8b: {  	s0 =	sand.u32 $0x1, s1  }
0x8c: {  	s17 =	sshll.u32 s0, $0xA;
	s2 =	sadd.s32 s3, s2  }
0x8d: {  	s2 =	sadd.s32 s2, s17  }
0x8e: {  	[smem:$0x3FBB] =	sst s2  }
0x8f: {  	_ = 	snop  }
0x90: {  	s2 =	sld [smem:$0x3FC8]  }
0x91: {  	s18 =	sld [smem:$0x3FD0];
	(tm) =	ssettm $0x1  }
0x92: {  	s4 =	sld [smem:$0x3FFB];
	_ =	sdelay $0x3  }
0x93: {  	_ =	strace s4  }
0x94: {  	s4 =	sld [smem:$0x3FFC];
	_ =	sdelay $0x3  }
0x95: {  	_ =	strace s4  }
0x96: {  	s4 =	sld [smem:$0x3FFD];
	_ =	sdelay $0x3  }
0x97: {  	_ =	strace s4  }
0x98: {  	_ =	strace $0x8FFFFFFF  }
0x99: {  	s19 =	sld [smem:$0x3FDB];
	_ =	sdelay $0x1  }
0x9a: {  	s5 =	simm.s32 $_scs_section_size  }
0x9b: {  	s6 =	simm.s32 $_size__tile_overlayer_lowered;
	s7 =	simm.s32 $_tile_overlayer_lowered  }
0x9c: {  	s22 =	simm.s32 $0x1BFF;
	s21 =	sshll.u32 s7, $0x1;
	s4 =	sadd.s32 s5, s19  }
0x9d: {  	s8 =	simm.s32 $0x0;
	s20 =	sshll.u32 s6, $0x1;
	s6 =	sadd.s32 s21, s4  }
0x9e: {  	[timem:s8], [sflag:s22] =	dma.local [hbm:s6], s20  }
0x9f: {  	_ =	swait.ge [sflag:s22], s20  }
0xa0: {  	s5 =	ssub.s32 $0x0, s20;
	[sflag:s22] =	ssyncset.done $0x0  }
0xa1: {  	[sflag:s22] =	ssyncadd.s32 s5;
	_ =	sdelay $0x1  }
0xa2: {  	s23 =	simm.s32 $0x1B8B  }
0xa3: {  	_ =	swait.ge [sflag:s23], $0x1  }
0xa4: {  	[sflag:s23] =	ssyncset.done $0x0  }
0xa5: {  	s25 =	simm.s32 $0x1B8E;
	s24 =	sld [smem:$0x3FFE];
	[sflag:s23] =	ssyncadd.s32 $0xFFFFFFFF  }
0xa6: {  	s26 =	simm.s32 $execute0_lowered;
	[smem:$0x3FD2] =	sst s25  }
0xa7: {  	s6 =	sshll.u32 s26, $0x1;
	_ =	strace $0x80000046;
	[dreg:$0x1] =	wrdreg $0xFFFFFFFF  }
0xa8: {  	s28 =	simm.s32 $_size_execute0_lowered;
	s4 =	sadd.s32 s4, s6;
	[dreg:$0x0] =	wrdreg $0x0  }
0xa9: {  	s6 =	sshll.u32 s28, $0x1;
	[dreg:$0x2] =	wrdreg s4  }
0xaa: {  	[dreg:$0x3] =	wrdreg s6  }
0xab: {  	[dreg:$0x4] =	wrdreg $0xC0  }
0xac: {  	_ =	task [dreg:s8], $0x5FFFF  }
0xad: {  	[dreg:$0x1] =	wrdreg $0xFFFFFFFF  }
0xae: {  	[dreg:$0x0] =	wrdreg $0x60  }
0xaf: {  	[dreg:$0x2] =	wrdreg s24  }
0xb0: {  	[dreg:$0x3] =	wrdreg s2  }
0xb1: {  	[dreg:$0x4] =	wrdreg s18  }
0xb2: {  	[dreg:$0x5] =	wrdreg $0x9  }
0xb3: {  	_ =	task.clear_ibuf [dreg:s8], $0x6FFFF;
	_ =	strace $0x90000046  }
0xb4: {  	s29 =	simm.s32 $0x9;
	_ =	strace $0x80000048  }
0xb5: {  	_ =	swait.ge [sflag:s29], $0x1  }
0xb6: {  	[sflag:s29] =	ssyncadd.s32 $0xFFFFFFFF  }
0xb7: {  	_ =	strace $0x90000048  }
0xb8: {  	_ =	sfence  }
0xb9: {  	s30 =	sld [smem:$0x0];
	_ =	sdelay $0x2  }
0xba: {  	s31 =	sshll.u32 s1, $0xD;
	s1 =	sshrl.u32 s1, $0x2  }
0xbb: {  	s3 =	sand.u32 $0x4000, s31;
	s1 =	sadd.s32 s1, s30  }
0xbc: {  	s0 =	sor.u32 s3, s0;
	s1 =	sshll.u32 s1, $0x11  }
0xbd: {  	s0 =	sor.u32 s1, s0  }
0xbe: {  	s0 =	sadd.s32 $0x8F2B, s0  }
0xbf: {  	[sflag:s0] =	ssyncadd.remote.s32 $0x1  }
0xc0: {  	_ =	sfence.sel $0xFFFF  }
0xc1: {  	[dreg:$0x0] =	wrdreg $0xFFFFFFFF;
	(pc) =	sbr.abs _section_cstart, $3  }
0xc2: {  	[dreg:$0x1] =	wrdreg $0xFFFFFFFF  }
0xc3: {  	_ =	task.clear_ibuf [dreg:s8], $0x2FFFF;
	_ =	strace $0x9FFFFFFF  }
0xc4: {  	(tm) =	ssettm $0x7FFFFFFF  }
0xc5: {  	_ =	shalt  }
tec
execute0_lowered:
.L_overlay_start_1:
0x0: {  	(tag) =	ssettag $0x1  }
0x1: {  	s1 =	srdreg.scid;
	s5 =	rddreg [dreg:$0x0]  }
0x2: {  	s0 =	stileid.u32;
	s3 =	rddreg [dreg:$0x1]  }
0x3: {  	s7 =	rddreg [dreg:$0x2];
	s8 =	sand.u32 $0x1, s1;
	s16 =	sshll.u32 s0, $0x1  }
0x4: {  	s2 =	simm.s32 $0x0;
	s1 =	rddreg [dreg:$0x3];
	s6 =	sor.u32 s8, s16  }
0x5: {  	[smem:$0x7FF] =	sst s2;
	s9 =	sshll.u32 s6, $0x8  }
0x6: {  	_ =	strace $0x80000047;
	s10 =	sshll.u32 s6, $0x5;
	s4 =	sor.u32 $0x10, s9  }
0x7: {  	s17 =	sor.u32 $0x20, s9;
	s10 =	sand.u32 $0xE0, s10;
	s11 =	sor.u32 $0x30, s9  }
0x8: {  	s18 =	sor.u32 $0x40, s9;
	s19 =	sor.u32 $0x50, s9;
	s20 =	sor.u32 $0x60, s9  }
0x9: {  	s21 =	sor.u32 $0x70, s9;
	s22 =	sor.u32 $0x80, s9;
	s23 =	sor.u32 $0x90, s9  }
0xa: {  	v0 =	vlaneseq.u32;
	v1 =	vmov s9;
	s24 =	sor.u32 $0xA0, s9;
	s25 =	sor.u32 $0xB0, s9;
	s26 =	sor.u32 $0xC0, s9  }
0xb: {  	v15 =	vmul.u32 $0x10, v0;
	s28 =	sor.u32 $0xD0, s9;
	v0 =	vshll.u32 v1, $0x4;
	v1 =	vmov s4;
	s4 =	sadd.s32 s3, s10;
	s3 =	simm.s32 $0x2  }
0xc: {  	[tilespmem:s2], [sflag:$0x2] =	stream.linear.gather [hbm4b:s4+s2], $0x100, $0x38;
	[tilespmem:$0x8200] =	vst v63  }
0xd: {  	s29 =	sor.u32 $0xE0, s9;
	s9 =	sor.u32 $0xF0, s9;
	v4 =	vmov s24;
	_ =	swait.ge [sflag:s3], $0x100  }
0xe: {  	v11 =	vmov s26;
	v20 =	vmov s29;
	v24 =	vmov s9;
	[sflag:s3] =	ssyncset.done $0x0  }
0xf: {  	v5 =	vor.u32 v15, v0;
	v0 =	vshll.u32 v1, $0x4;
	v1 =	vmov s17;
	[sflag:s3] =	ssyncadd.s32 $0xFFFFFF00  }
0x10: {  	v10 =	vor.u32 v15, v0;
	v0 =	vshll.u32 v1, $0x4;
	v1 =	vmov s11;
	v13 =	vld [tilespmem:$0xF0]  }
0x11: {  	v3 =	vor.u32 v15, v0;
	v0 =	vshll.u32 v1, $0x4;
	v1 =	vmov s18;
	v16 =	vld [tilespmem:$0xB0]  }
0x12: {  	v12 =	vor.u32 v15, v0;
	v0 =	vshll.u32 v1, $0x4;
	v1 =	vmov s19;
	v17 =	vld [tilespmem:$0x40]  }
0x13: {  	v7 =	vor.u32 v15, v0;
	v0 =	vshll.u32 v1, $0x4;
	v1 =	vmov s20;
	v18 =	vld [tilespmem:$0x0]  }
0x14: {  	v19 =	vld [tilespmem:$0xE0];
	v6 =	vor.u32 v15, v0;
	v0 =	vshll.u32 v1, $0x4;
	v1 =	vmov s21  }
0x15: {  	v21 =	vld [tilespmem:$0x30];
	v8 =	vor.u32 v15, v0;
	v0 =	vshll.u32 v1, $0x4;
	v1 =	vmov s22  }
0x16: {  	v23 =	vld [tilespmem:$0x20];
	v2 =	vor.u32 v15, v0;
	v0 =	vshll.u32 v1, $0x4;
	v1 =	vmov s23  }
0x17: {  	v20 =	vshll.u32 v20, $0x4;
	v24 =	vshll.u32 v24, $0x4;
	v26 =	vld [tilespmem:$0x50];
	v1 =	vshll.u32 v1, $0x4  }
0x18: {  	v0 =	vor.u32 v15, v0;
	v9 =	vor.u32 v15, v1;
	v22 =	vmul.f32 $1.600000000e+01, v13  }
0x19: {  	v1 =	vshll.u32 v4, $0x4;
	v16 =	vmul.f32 $1.600000000e+01, v16;
	v17 =	vmul.f32 $1.600000000e+01, v17  }
0x1a: {  	v4 =	vmov s25;
	v18 =	vmul.f32 $1.600000000e+01, v18;
	v21 =	vmul.f32 $1.600000000e+01, v21  }
0x1b: {  	v13 =	vor.u32 v15, v20;
	v23 =	vmul.f32 $1.600000000e+01, v23;
	v19 =	vmul.f32 $1.600000000e+01, v19  }
0x1c: {  	v26 =	vmul.f32 $1.600000000e+01, v26;
	v1 =	vor.u32 v15, v1;
	v4 =	vshll.u32 v4, $0x4  }
0x1d: {  	v14 =	vor.u32 v15, v4;
	v22 =	vtrunc.f32 v22;
	v17 =	vtrunc.f32 v17  }
0x1e: {  	v4 =	vshll.u32 v11, $0x4;
	v16 =	vtrunc.f32 v16;
	v21 =	vtrunc.f32 v21  }
0x1f: {  	v25 =	vld [tilespmem:$0x60];
	v11 =	vmov s28;
	v18 =	vtrunc.f32 v18;
	v22 =	vcvt.f32.s32 v22  }
0x20: {  	v20 =	vld [tilespmem:$0x90];
	v23 =	vtrunc.f32 v23;
	v30 =	vtrunc.f32 v19;
	v4 =	vor.u32 v15, v4  }
0x21: {  	v27 =	vld [tilespmem:$0x10];
	v11 =	vshll.u32 v11, $0x4;
	v16 =	vcvt.f32.s32 v16;
	vm0 =	vgt.s32 v22, $0x0  }
0x22: {  	v21 =	vcvt.f32.s32 v21;
	v63 =	vcvt.f32.s32 v17;
	v22 =	vnsel vm0, $0x0, v22  }
0x23: {  	v11 =	vor.u32 v15, v11;
	v15 =	vor.u32 v15, v24;
	v24 =	vld [tilespmem:$0x80];
	v22 =	vmin.u32 v22, $0xF  }
0x24: {  	v18 =	vcvt.f32.s32 v18;
	v17 =	vcvt.f32.s32 v23;
	v29 =	vor.u32 v15, v22;
	v22 =	vld [tilespmem:$0x70]  }
0x25: {  	v23 =	vmul.f32 $1.600000000e+01, v25;
	v20 =	vmul.f32 $1.600000000e+01, v20  }
0x26: {  	s8 =	ssub.s32 $0x2, s8;
	v25 =	vmul.f32 $1.600000000e+01, v27;
	vm1 =	vgt.s32 v63, $0x0;
	vm0 =	vgt.s32 v16, $0x0  }
0x27: {  	s30 =	sshrl.u32 s8, $0x1;
	v28 =	vnsel vm0, $0x0, v16;
	vm0 =	vgt.s32 v21, $0x0;
	v20 =	vtrunc.f32 v20  }
0x28: {  	s8 =	ssub.s32 s8, s30;
	v19 =	vnsel vm0, $0x0, v21;
	vm0 =	vgt.s32 v18, $0x0;
	v16 =	vmul.f32 $1.600000000e+01, v24  }
0x29: {  	s13 =	smax.u32 s8, $0x1;
	v24 =	vmin.u32 v28, $0xF;
	v19 =	vmin.u32 v19, $0xF;
	v21 =	vmul.f32 $1.600000000e+01, v22  }
0x2a: {  	p0 =	sne.s32 s13, $0x1;
	v24 =	vor.u32 v14, v24;
	v22 =	vtrunc.f32 v23;
	v23 =	vtrunc.f32 v25  }
.Ltmp0:
0x2b: {  	v18 =	vnsel vm0, $0x0, v18;
	[tilespmem:$0x1B0] =	vst v24;
	v24 =	vnsel vm1, $0x0, v63;
	v31 =	vcvt.f32.s32 v23;
	(pc) =	sbr.rel @!p0 .LBB2_2-.Ltmp0, $4  }
0x2c: {  	s31 =	sshll.u32 s6, $0xC;
	v27 =	vor.u32 v12, v19;
	v24 =	vmin.u32 v24, $0xF;
	v25 =	vmin.u32 v18, $0xF  }
0x2d: {  	s12 =	simm.s32 $0x4200;
	s6 =	sadd.s32 $0x1E00, s5;
	s5 =	sadd.s32 s7, s31;
	v18 =	vtrunc.f32 v26;
	v19 =	vcvt.f32.s32 v22;
	vm0 =	vgt.s32 v31, $0x0  }
0x2e: {  	s7 =	simm.s32 $0x200;
	s8 =	simm.s32 $0x80;
	s9 =	simm.s32 $0x100;
	[tilespmem:$0x1F0] =	vst v29;
	v22 =	vcvt.f32.s32 v30;
	v23 =	vcvt.f32.s32 v18;
	v18 =	vnsel vm0, $0x0, v31  }
0x2f: {  	s10 =	simm.s32 $0x180;
	s13 =	sadd.s32 $0xFFFFFFFF, s13;
	s11 =	simm.s32 $0x1;
	[tilespmem:$0x130] =	vst v27;
	vm0 =	vgt.s32 v19, $0x0;
	v26 =	vmin.u32 v18, $0xF;
	v18 =	vcvt.f32.s32 v20;
	v20 =	vld [tilespmem:$0xA0]  }
.LBB2_1:
0x30: {  	p0 =	sne.s32 s13, $0x1;
	s13 =	sadd.s32 $0xFFFFFFFF, s13;
	v26 =	vor.u32 v10, v26;
	vm2 =	vgt.s32 v23, $0x0;
	v21 =	vtrunc.f32 v21;
	v27 =	vld [tilespmem:$0xD0]  }
0x31: {  	v25 =	vor.u32 v5, v25;
	vm3 =	vgt.s32 v22, $0x0;
	[tilespmem:$0x110] =	vst v26;
	vm1 =	vgt.s32 v18, $0x0;
	v26 =	vld [tilespmem:$0xC0]  }
0x32: {  	vm4 =	vgt.s32 v17, $0x0;
	v21 =	vcvt.f32.s32 v21;
	v22 =	vnsel vm3, $0x0, v22;
	[tilespmem:$0x100] =	vst v25  }
0x33: {  	v19 =	vnsel vm0, $0x0, v19;
	v16 =	vtrunc.f32 v16;
	v22 =	vmin.u32 v22, $0xF  }
0x34: {  	v23 =	vnsel vm2, $0x0, v23;
	v16 =	vcvt.f32.s32 v16;
	v22 =	vor.u32 v13, v22  }
0x35: {  	v17 =	vnsel vm4, $0x0, v17;
	vm0 =	vgt.s32 v21, $0x0;
	v25 =	vmul.f32 $1.600000000e+01, v27;
	[tilespmem:$0x1E0] =	vst v22  }
0x36: {  	v17 =	vmin.u32 v17, $0xF;
	v23 =	vmin.u32 v23, $0xF;
	v22 =	vor.u32 v7, v24  }
0x37: {  	v17 =	vor.u32 v3, v17;
	v21 =	vnsel vm0, $0x0, v21;
	[tilespmem:$0x140] =	vst v22;
	v22 =	vtrunc.f32 v25  }
0x38: {  	v19 =	vmin.u32 v19, $0xF;
	v23 =	vor.u32 v6, v23;
	vm0 =	vgt.s32 v16, $0x0  }
0x39: {  	v19 =	vor.u32 v8, v19;
	v18 =	vnsel vm1, $0x0, v18;
	v20 =	vmul.f32 $1.600000000e+01, v20;
	[tilespmem:$0x150] =	vst v23  }
0x3a: {  	v22 =	vcvt.f32.s32 v22;
	[tilespmem:$0x120] =	vst v17;
	v17 =	vmin.u32 v18, $0xF;
	v18 =	vmul.f32 $1.600000000e+01, v26  }
0x3b: {  	v20 =	vtrunc.f32 v20;
	[tilespmem:$0x160] =	vst v19;
	v19 =	vmin.u32 v21, $0xF;
	v17 =	vor.u32 v9, v17  }
0x3c: {  	vm1 =	vgt.s32 v22, $0x0;
	v19 =	vor.u32 v2, v19;
	v18 =	vtrunc.f32 v18  }
0x3d: {  	[tilespmem:$0x190] =	vst v17;
	v17 =	vcvt.f32.s32 v20;
	v18 =	vcvt.f32.s32 v18;
	v20 =	vnsel vm1, $0x0, v22  }
0x3e: {  	v16 =	vnsel vm0, $0x0, v16;
	[tilespmem:$0x170] =	vst v19;
	v19 =	vmin.u32 v20, $0xF  }
0x3f: {  	vm0 =	vgt.s32 v17, $0x0;
	vm1 =	vgt.s32 v18, $0x0;
	v19 =	vor.u32 v11, v19  }
0x40: {  	v16 =	vmin.u32 v16, $0xF;
	v17 =	vnsel vm0, $0x0, v17;
	v18 =	vnsel vm1, $0x0, v18;
	[tilespmem:$0x1D0] =	vst v19  }
0x41: {  	v16 =	vor.u32 v0, v16;
	v17 =	vmin.u32 v17, $0xF;
	v18 =	vmin.u32 v18, $0xF  }
0x42: {  	[tilespmem:$0x180] =	vst v16;
	v16 =	vor.u32 v1, v17;
	v17 =	vor.u32 v4, v18  }
0x43: {  	[tilespmem:$0x1A0] =	vst v16  }
0x44: {  	[tilespmem:$0x1C0] =	vst v17  }
0x45: {  	[tilespmem:s7], [sflag:$0x1] =	stream.indirect.gather [hbm4b:s6+s8], $0x80, s9, s8, $0xb8;
	[tilespmem:$0x8200] =	vst v63  }
0x46: {  	_ = 	snop  }
0x47: {  	[tilespmem:s12], [sflag:$0x1] =	stream.indirect.gather [hbm4b:s6+s8], $0x80, s10, s8, $0xb8;
	[tilespmem:$0x8200] =	vst v63  }
0x48: {  	_ =	swait.ge [sflag:s11], $0x4000  }
0x49: {  	[sflag:s11] =	ssyncset.done $0x0  }
0x4a: {  	[sflag:s11] =	ssyncadd.s32 $0xFFFFC000  }
0x4b: {  	_ =	swait.ge [sflag:s11], $0x4000  }
0x4c: {  	[sflag:s11] =	ssyncset.done $0x0  }
0x4d: {  	[sflag:s11] =	ssyncadd.s32 $0xFFFFC000  }
0x4e: {  	[hbm4b:s5+s2] =	stream.linear.scatter [tilespmem:s7], [sflag:$0x2], $0x8000, $0x38;
	[tilespmem:$0x8200] =	vst v63  }
0x4f: {  	_ =	swait.ge [sflag:s3], $0x8000  }
0x50: {  	[sflag:s3] =	ssyncset.done $0x0  }
0x51: {  	[sflag:s3] =	ssyncadd.s32 $0xFFFF8000  }
0x52: {  	[tilespmem:s2], [sflag:$0x2] =	stream.linear.gather [hbm4b:s4+s2], $0x100, $0x38;
	[tilespmem:$0x8200] =	vst v63  }
0x53: {  	_ =	swait.ge [sflag:s3], $0x100  }
0x54: {  	[sflag:s3] =	ssyncset.done $0x0  }
0x55: {  	[sflag:s3] =	ssyncadd.s32 $0xFFFFFF00  }
0x56: {  	v16 =	vld [tilespmem:$0xF0]  }
0x57: {  	v17 =	vld [tilespmem:$0xB0]  }
0x58: {  	v18 =	vld [tilespmem:$0x40]  }
0x59: {  	v19 =	vld [tilespmem:$0x0]  }
0x5a: {  	v20 =	vld [tilespmem:$0xE0]  }
0x5b: {  	v21 =	vld [tilespmem:$0x30];
	v16 =	vmul.f32 $1.600000000e+01, v16  }
0x5c: {  	v22 =	vld [tilespmem:$0x20];
	v17 =	vmul.f32 $1.600000000e+01, v17  }
0x5d: {  	v18 =	vmul.f32 $1.600000000e+01, v18;
	v23 =	vld [tilespmem:$0x90];
	v16 =	vtrunc.f32 v16  }
0x5e: {  	v19 =	vmul.f32 $1.600000000e+01, v19;
	v24 =	vld [tilespmem:$0x80];
	v16 =	vcvt.f32.s32 v16  }
0x5f: {  	v17 =	vtrunc.f32 v17;
	v18 =	vtrunc.f32 v18;
	v25 =	vld [tilespmem:$0x70]  }
0x60: {  	v17 =	vcvt.f32.s32 v17;
	v21 =	vmul.f32 $1.600000000e+01, v21;
	v26 =	vld [tilespmem:$0x60];
	vm0 =	vgt.s32 v16, $0x0  }
0x61: {  	v20 =	vmul.f32 $1.600000000e+01, v20;
	v22 =	vmul.f32 $1.600000000e+01, v22;
	v27 =	vld [tilespmem:$0x50];
	v16 =	vnsel vm0, $0x0, v16  }
0x62: {  	vm0 =	vgt.s32 v17, $0x0;
	v28 =	vld [tilespmem:$0x10];
	v23 =	vmul.f32 $1.600000000e+01, v23;
	v16 =	vmin.u32 v16, $0xF  }
0x63: {  	v21 =	vtrunc.f32 v21;
	v17 =	vnsel vm0, $0x0, v17;
	v29 =	vor.u32 v15, v16  }
0x64: {  	v19 =	vtrunc.f32 v19;
	v16 =	vmul.f32 $1.600000000e+01, v24;
	v17 =	vmin.u32 v17, $0xF;
	[tilespmem:$0x1F0] =	vst v29  }
0x65: {  	v22 =	vtrunc.f32 v22;
	v21 =	vcvt.f32.s32 v21;
	v17 =	vor.u32 v14, v17  }
0x66: {  	v18 =	vcvt.f32.s32 v18;
	v20 =	vtrunc.f32 v20;
	[tilespmem:$0x1B0] =	vst v17  }
0x67: {  	v19 =	vcvt.f32.s32 v19;
	vm0 =	vgt.s32 v21, $0x0;
	v17 =	vcvt.f32.s32 v22  }
0x68: {  	v24 =	vmul.f32 $1.600000000e+01, v26;
	v21 =	vnsel vm0, $0x0, v21;
	v22 =	vmul.f32 $1.600000000e+01, v28  }
0x69: {  	v27 =	vmul.f32 $1.600000000e+01, v27;
	v26 =	vmin.u32 v21, $0xF;
	v21 =	vmul.f32 $1.600000000e+01, v25  }
0x6a: {  	vm0 =	vgt.s32 v19, $0x0;
	v24 =	vtrunc.f32 v24;
	v25 =	vor.u32 v12, v26  }
0x6b: {  	v26 =	vnsel vm0, $0x0, v19;
	v19 =	vcvt.f32.s32 v24;
	v22 =	vtrunc.f32 v22;
	[tilespmem:$0x130] =	vst v25  }
.Ltmp1:
0x6c: {  	v24 =	vcvt.f32.s32 v22;
	v22 =	vcvt.f32.s32 v20;
	v25 =	vmin.u32 v26, $0xF;
	(pc) =	sbr.rel @p0 .LBB2_1-.Ltmp1, $4  }
0x6d: {  	v20 =	vtrunc.f32 v27;
	v27 =	vtrunc.f32 v23  }
0x6e: {  	vm1 =	vgt.s32 v18, $0x0;
	v23 =	vcvt.f32.s32 v20;
	vm0 =	vgt.s32 v24, $0x0  }
0x6f: {  	v18 =	vnsel vm1, $0x0, v18;
	v20 =	vnsel vm0, $0x0, v24;
	vm0 =	vgt.s32 v19, $0x0  }
0x70: {  	v24 =	vmin.u32 v18, $0xF;
	v18 =	vcvt.f32.s32 v27;
	v26 =	vmin.u32 v20, $0xF;
	v20 =	vld [tilespmem:$0xA0]  }
.LBB2_2:
0x71: {  	v10 =	vor.u32 v10, v26  }
0x72: {  	vm1 =	vgt.s32 v23, $0x0;
	v12 =	vtrunc.f32 v21;
	vm2 =	vgt.s32 v22, $0x0  }
0x73: {  	v5 =	vor.u32 v5, v25;
	vm10 =	vgt.s32 v17, $0x0;
	v19 =	vnsel vm0, $0x0, v19  }
0x74: {  	v16 =	vtrunc.f32 v16;
	v7 =	vor.u32 v7, v24;
	vm3 =	vgt.s32 v18, $0x0  }
0x75: {  	v15 =	vnsel vm2, $0x0, v22;
	v12 =	vcvt.f32.s32 v12;
	v35 =	vnsel vm1, $0x0, v23  }
0x76: {  	v14 =	vld [tilespmem:$0xD0];
	v16 =	vcvt.f32.s32 v16;
	v37 =	vnsel vm10, $0x0, v17;
	v41 =	vmin.u32 v19, $0xF  }
0x77: {  	v36 =	vld [tilespmem:$0xC0];
	v15 =	vmin.u32 v15, $0xF;
	v38 =	vmin.u32 v35, $0xF;
	v43 =	vor.u32 v8, v41  }
0x78: {  	v44 =	vnsel vm3, $0x0, v18;
	v13 =	vor.u32 v13, v15;
	vm11 =	vgt.s32 v12, $0x0  }
0x79: {  	[tilespmem:$0x110] =	vst v10;
	v15 =	vmin.u32 v37, $0xF;
	v42 =	vor.u32 v6, v38;
	vm12 =	vgt.s32 v16, $0x0  }
0x7a: {  	[tilespmem:$0x100] =	vst v5;
	v47 =	vmin.u32 v44, $0xF;
	v3 =	vor.u32 v3, v15;
	v45 =	vmul.f32 $1.600000000e+01, v20  }
0x7b: {  	[tilespmem:$0x140] =	vst v7;
	v39 =	vnsel vm11, $0x0, v12;
	v49 =	vor.u32 v9, v47;
	v14 =	vmul.f32 $1.600000000e+01, v14  }
0x7c: {  	[tilespmem:$0x160] =	vst v43;
	v55 =	vnsel vm12, $0x0, v16;
	v46 =	vmul.f32 $1.600000000e+01, v36;
	v50 =	vtrunc.f32 v45  }
0x7d: {  	[tilespmem:$0x1E0] =	vst v13;
	v10 =	vmin.u32 v39, $0xF;
	v40 =	vtrunc.f32 v14;
	v52 =	vcvt.f32.s32 v50  }
0x7e: {  	[tilespmem:$0x150] =	vst v42;
	v58 =	vmin.u32 v55, $0xF;
	v51 =	vtrunc.f32 v46;
	v48 =	vcvt.f32.s32 v40  }
0x7f: {  	[tilespmem:$0x120] =	vst v3;
	v2 =	vor.u32 v2, v10;
	v53 =	vcvt.f32.s32 v51;
	vm14 =	vgt.s32 v52, $0x0  }
0x80: {  	[tilespmem:$0x190] =	vst v49;
	v0 =	vor.u32 v0, v58;
	vm13 =	vgt.s32 v48, $0x0;
	v3 =	vnsel vm14, $0x0, v52  }
0x81: {  	[tilespmem:$0x170] =	vst v2;
	vm15 =	vgt.s32 v53, $0x0;
	v54 =	vnsel vm13, $0x0, v48;
	v60 =	vmin.u32 v3, $0xF  }
0x82: {  	[tilespmem:$0x180] =	vst v0;
	v59 =	vnsel vm15, $0x0, v53;
	v56 =	vmin.u32 v54, $0xF;
	v62 =	vor.u32 v1, v60  }
0x83: {  	v61 =	vmin.u32 v59, $0xF;
	v57 =	vor.u32 v11, v56;
	[tilespmem:$0x1A0] =	vst v62  }
0x84: {  	v63 =	vor.u32 v4, v61;
	[tilespmem:$0x1D0] =	vst v57  }
0x85: {  	[tilespmem:$0x1C0] =	vst v63  }
0x86: {  	[tilespmem:s7], [sflag:$0x1] =	stream.indirect.gather [hbm4b:s6+s8], $0x80, s9, s8, $0xb8;
	[tilespmem:$0x8200] =	vst v63  }
0x87: {  	_ = 	snop  }
0x88: {  	[tilespmem:s12], [sflag:$0x1] =	stream.indirect.gather [hbm4b:s6+s8], $0x80, s10, s8, $0xb8;
	[tilespmem:$0x8200] =	vst v63  }
0x89: {  	_ =	swait.ge [sflag:s11], $0x4000  }
0x8a: {  	[sflag:s11] =	ssyncset.done $0x0  }
0x8b: {  	[sflag:s11] =	ssyncadd.s32 $0xFFFFC000  }
0x8c: {  	_ =	swait.ge [sflag:s11], $0x4000  }
0x8d: {  	[sflag:s11] =	ssyncset.done $0x0  }
0x8e: {  	[sflag:s11] =	ssyncadd.s32 $0xFFFFC000  }
0x8f: {  	[hbm4b:s5+s2] =	stream.linear.scatter [tilespmem:s7], [sflag:$0x2], $0x8000, $0x38;
	[tilespmem:$0x8200] =	vst v63  }
0x90: {  	_ =	swait.ge [sflag:s3], $0x8000  }
0x91: {  	[sflag:s3] =	ssyncset.done $0x0  }
0x92: {  	[sflag:s3] =	ssyncadd.s32 $0xFFFF8000  }
0x93: {  	_ =	sfence.sel $0x180000  }
0x94: {  	[bflag:$0x0] =	sbarrier.arrive $0xFFFF  }
0x95: {  	p0 =	sne.s32 s0, $0x0;
	_ =	strace $0x90000047  }
0x96: {  	s0 =	sadd.s32 @!p0 $0x100000, s1;
	[bflag:$0x2] =	sbarrier.arrive $0xFFFF  }
0x97: {  	[sflag:s0] =	ssyncadd.tile.s32 @!p0 $0x1;
	_ =	shalt  }
.Lfunc_end2:
_tile_overlayer_lowered:
.L_overlay_start_2:
0x98: {  	(tag) =	ssettag $0x2  }
0x99: {  	s0 =	rddreg [dreg:$0x0];
	s2 =	stileid.u32  }
0x9a: {  	s1 =	rddreg [dreg:$0x1];
	p0 =	sne.s32 s2, $0x0  }
0x9b: {  	s3 =	rddreg [dreg:$0x2];
	[bflag:$0x3] =	sbarrier.arrive $0xFFFF;
	s2 =	simm.s32 @!p0 $0x1C02  }
0x9c: {  	[timem:s3], [sflag:s2] =	dma.local @!p0 [hbm:s0], s1  }
0x9d: {  	s0 =	simm.s32 @!p0 $0x2  }
0x9e: {  	_ =	swait.ge @!p0 [sflag:s0], s1  }
0x9f: {  	s1 =	ssub.s32 @!p0 $0x0, s1;
	[sflag:s0] =	ssyncset.done @!p0 $0x0  }
0xa0: {  	[sflag:s0] =	ssyncadd.s32 @!p0 s1  }
0xa1: {  	[bflag:$0x3] =	sbarrier.arrive $0xFFFF  }
0xa2: {  	_ =	shalt  }

</sc_bundles>
